<compile_context>
chip_gen: v7x
topology: tpu7x:2x2x1
jax: 0.10.2.dev20260603
libtpu: 0.0.44.dev20260713+nightly
codegen_flags: <defaults>
</compile_context>

<pallas_src>
import functools

import jax
import jax.numpy as jnp
from jax.experimental import pallas as pl

_INTERPRET = False


def _body(x_ref, k_ref, We_ref, be_ref, Wd_ref, bd_ref, xm_ref, xs_ref,
          ym_ref, ys_ref, n_ref, out_ref, code_ref, *, TB, C, D):
    eps = 1e-20
    xn = (x_ref[...] - xm_ref[...]) / xs_ref[...]
    logits = jnp.dot(xn, We_ref[...], preferred_element_type=jnp.float32)
    logits = logits + be_ref[...]
    kk = k_ref[0, 0]
    s = kk * (n_ref[...] - 0.5) + 0.5
    g = -jnp.log(-jnp.log(s + eps) + eps)
    a = logits + g
    for c in range(C):
        ac = a[:, c * D:(c + 1) * D]
        m = jnp.max(ac, axis=1, keepdims=True)
        code_ref[:, c * D:(c + 1) * D] = (ac == m).astype(jnp.float32)
    codes = code_ref[...]
    acc = jnp.dot(codes.astype(jnp.bfloat16), Wd_ref[...].astype(jnp.bfloat16),
                  preferred_element_type=jnp.float32)
    out_ref[...] = (acc + bd_ref[...]) * ys_ref[...] + ym_ref[...]


def kernel(x, k, W_est, b_est, W_dec, b_dec, x_mean, x_std, y_mean, y_std,
           noise):
    B, D_IN = x.shape
    CD = W_est.shape[1]
    D_OUT = W_dec.shape[1]
    D = noise.shape[-1]
    C = CD // D
    TB = 128
    grid = (B // TB,)

    noise2 = noise.reshape(B, CD)
    k2 = k.reshape(1, 1)
    be = b_est.reshape(1, CD)
    bd = b_dec.reshape(1, D_OUT)
    xm = x_mean.reshape(1, D_IN)
    xs = x_std.reshape(1, D_IN)
    ym = y_mean.reshape(1, D_OUT)
    ys = y_std.reshape(1, D_OUT)

    fixed = lambda shape: pl.BlockSpec(shape, lambda i: (0, 0))
    tiled = lambda w: pl.BlockSpec((TB, w), lambda i: (i, 0))

    out, code = pl.pallas_call(
        functools.partial(_body, TB=TB, C=C, D=D),
        grid=grid,
        in_specs=[
            tiled(D_IN),
            fixed((1, 1)),
            fixed((D_IN, CD)),
            fixed((1, CD)),
            fixed((CD, D_OUT)),
            fixed((1, D_OUT)),
            fixed((1, D_IN)),
            fixed((1, D_IN)),
            fixed((1, D_OUT)),
            fixed((1, D_OUT)),
            tiled(CD),
        ],
        out_specs=(tiled(D_OUT), tiled(CD)),
        out_shape=(jax.ShapeDtypeStruct((B, D_OUT), jnp.float32),
                   jax.ShapeDtypeStruct((B, CD), jnp.float32)),
        interpret=_INTERPRET,
    )(x, k2, W_est, be, W_dec, bd, xm, xs, ym, ys, noise2)
    return (out, code)

# --- scband reference (transcript-rebuilt; emitter-appended) ---
"""Pipeline reference for scband-model-35158602285227 (READ-ONLY COPY).

The authoritative reference and input builder live on the scoring server;
editing this copy changes nothing except your own understanding.
"""

import jax, jax.numpy as jnp
import numpy as np

C = 64
D = 128
B = 4096
D_IN = 256
D_OUT = 256


def setup_inputs(seed: int = 0) -> dict:
    key = jax.random.key(seed)
    ks = jax.random.split(key, 10)
    x = jax.random.normal(ks[0], (B, D_IN), dtype=jnp.float32)
    k = jax.random.uniform(ks[1], (1,), dtype=jnp.float32)
    # Estimator: Linear(D_IN -> C*D)
    W_est = jax.random.normal(ks[2], (D_IN, C * D), dtype=jnp.float32) * 0.02
    b_est = jnp.zeros((C * D,), dtype=jnp.float32)
    # Decoder: Linear(C*D -> D_OUT)
    W_dec = jax.random.normal(ks[3], (C * D, D_OUT), dtype=jnp.float32) * 0.02
    b_dec = jnp.zeros((D_OUT,), dtype=jnp.float32)
    # XNorm / YNorm statistics (mean, std)
    x_mean = jax.random.normal(ks[4], (D_IN,), dtype=jnp.float32) * 0.1
    x_std = jax.random.uniform(ks[5], (D_IN,), dtype=jnp.float32, minval=0.5, maxval=1.5)
    y_mean = jax.random.normal(ks[6], (D_OUT,), dtype=jnp.float32) * 0.1
    y_std = jax.random.uniform(ks[7], (D_OUT,), dtype=jnp.float32, minval=0.5, maxval=1.5)
    # torch.rand_like noise inside sample_gumbel, materialized for determinism
    noise = jax.random.uniform(ks[8], (1, B, C, D), dtype=jnp.float32)
    return {
        "x": x, "k": k,
        "W_est": W_est, "b_est": b_est,
        "W_dec": W_dec, "b_dec": b_dec,
        "x_mean": x_mean, "x_std": x_std,
        "y_mean": y_mean, "y_std": y_std,
        "noise": noise,
    }


def reference(x, k, W_est, b_est, W_dec, b_dec, x_mean, x_std, y_mean, y_std, noise):
    eps = 1e-20
    # utility.Normalize(x, XNorm)
    xn = (x - x_mean) / x_std
    # Estimator
    logits = xn @ W_est + b_est  # [B, C*D]
    # sample(): reshape and repeat over k.size(0)
    z = logits.reshape(-1, C, D)
    K = noise.shape[0]  # k.size(0) == 1
    z = jnp.broadcast_to(z[None, :, :, :], (K, z.shape[0], C, D))
    # gumbel_softmax_sample with temperature=1.0, scale=k
    scale = k.reshape(-1, 1, 1, 1)
    samples = scale * (noise - 0.5) + 0.5
    g = -jnp.log(-jnp.log(samples + eps) + eps)
    y = jax.nn.softmax((z + g) / 1.0, axis=-1)
    y_soft = y
    # hard one-hot with straight-through estimator
    ind = jnp.argmax(y, axis=-1)
    y_hard = jax.nn.one_hot(ind, D, dtype=y.dtype)
    y_hard = jax.lax.stop_gradient(y_hard - y_soft) + y_soft
    z_hard = y_hard.reshape(-1, C * D)
    # Quantizer is None -> code = z_hard (estimate_hard path, t=None)
    code = z_hard
    # Decoder
    out = code @ W_dec + b_dec
    # utility.Renormalize(y, YNorm)
    out = out * y_std + y_mean
    return (out, code)

if __name__ == "__main__":
    import jax
    _d = setup_inputs()
    print(jax.jit(kernel)(*tuple(_d.values())))

</pallas_src>

<mosaic_0001>
module attributes {stable_mosaic.version = 14 : i64} {
  func.func @_body(%arg0: i32, %arg1: memref<128x256xf32, #tpu.memory_space<vmem>>, %arg2: memref<1x1xf32, #tpu.memory_space<vmem>>, %arg3: memref<256x8192xf32, #tpu.memory_space<vmem>>, %arg4: memref<1x8192xf32, #tpu.memory_space<vmem>>, %arg5: memref<8192x256xf32, #tpu.memory_space<vmem>>, %arg6: memref<1x256xf32, #tpu.memory_space<vmem>>, %arg7: memref<1x256xf32, #tpu.memory_space<vmem>>, %arg8: memref<1x256xf32, #tpu.memory_space<vmem>>, %arg9: memref<1x256xf32, #tpu.memory_space<vmem>>, %arg10: memref<1x256xf32, #tpu.memory_space<vmem>>, %arg11: memref<128x8192xf32, #tpu.memory_space<vmem>>, %arg12: memref<128x256xf32, #tpu.memory_space<vmem>>, %arg13: memref<128x8192xf32, #tpu.memory_space<vmem>>) attributes {dimension_semantics = [#tpu.dimension_semantics<arbitrary>], iteration_bounds = array<i64: 32>, scalar_prefetch = 0 : i64, scratch_operands = 0 : i64, tpu.core_type = #tpu.core_type<tc>, window_params = [{transform_indices = @transform_0, window_bounds = array<i64: 128, 256>}, {pipeline_mode = #tpu.pipeline_mode<synchronous>, transform_indices = @transform_1, window_bounds = array<i64: 1, 1>}, {pipeline_mode = #tpu.pipeline_mode<synchronous>, transform_indices = @transform_2, window_bounds = array<i64: 256, 8192>}, {pipeline_mode = #tpu.pipeline_mode<synchronous>, transform_indices = @transform_3, window_bounds = array<i64: 1, 8192>}, {pipeline_mode = #tpu.pipeline_mode<synchronous>, transform_indices = @transform_4, window_bounds = array<i64: 8192, 256>}, {pipeline_mode = #tpu.pipeline_mode<synchronous>, transform_indices = @transform_5, window_bounds = array<i64: 1, 256>}, {pipeline_mode = #tpu.pipeline_mode<synchronous>, transform_indices = @transform_6, window_bounds = array<i64: 1, 256>}, {pipeline_mode = #tpu.pipeline_mode<synchronous>, transform_indices = @transform_7, window_bounds = array<i64: 1, 256>}, {pipeline_mode = #tpu.pipeline_mode<synchronous>, transform_indices = @transform_8, window_bounds = array<i64: 1, 256>}, {pipeline_mode = #tpu.pipeline_mode<synchronous>, transform_indices = @transform_9, window_bounds = array<i64: 1, 256>}, {transform_indices = @transform_10, window_bounds = array<i64: 128, 8192>}, {transform_indices = @transform_11, window_bounds = array<i64: 128, 256>}, {transform_indices = @transform_12, window_bounds = array<i64: 128, 8192>}]} {
    %get3A = arith.constant 0 : index
    %get3A_0 = arith.constant 0 : index
    %get3A_1 = vector.load %arg1[%get3A, %get3A_0] : memref<128x256xf32, #tpu.memory_space<vmem>>, vector<128x256xf32>
    %get3A_2 = arith.constant 0 : index
    %get3A_3 = arith.constant 0 : index
    %get3A_4 = vector.load %arg7[%get3A_2, %get3A_3] : memref<1x256xf32, #tpu.memory_space<vmem>>, vector<1x256xf32>
    %sub3A = vector.broadcast %get3A_4 : vector<1x256xf32> to vector<128x256xf32>
    %sub3A_5 = arith.subf %get3A_1, %sub3A : vector<128x256xf32>
    %get3A_6 = arith.constant 0 : index
    %get3A_7 = arith.constant 0 : index
    %get3A_8 = vector.load %arg8[%get3A_6, %get3A_7] : memref<1x256xf32, #tpu.memory_space<vmem>>, vector<1x256xf32>
    %div3A = vector.broadcast %get3A_8 : vector<1x256xf32> to vector<128x256xf32>
    %div3A_9 = arith.divf %sub3A_5, %div3A : vector<128x256xf32>
    %get3A_10 = arith.constant 0 : index
    %get3A_11 = arith.constant 0 : index
    %get3A_12 = vector.load %arg3[%get3A_10, %get3A_11] : memref<256x8192xf32, #tpu.memory_space<vmem>>, vector<256x8192xf32>
    %dot_general3A = arith.constant dense<0.000000e+00> : vector<128x8192xf32>
    %dot_general3A_13 = tpu.matmul %div3A_9, %get3A_12, %dot_general3A {dimension_numbers = #tpu.dot_dimension_numbers<[1], [0], [0], [1], [0, 0, 1, 1], [], []>, transpose_lhs_hint = false} : vector<128x256xf32>, vector<256x8192xf32>, vector<128x8192xf32> -> vector<128x8192xf32>
    %get3A_14 = arith.constant 0 : index
    %get3A_15 = arith.constant 0 : index
    %get3A_16 = vector.load %arg4[%get3A_14, %get3A_15] : memref<1x8192xf32, #tpu.memory_space<vmem>>, vector<1x8192xf32>
    %add3A = vector.broadcast %get3A_16 : vector<1x8192xf32> to vector<128x8192xf32>
    %add3A_17 = arith.addf %dot_general3A_13, %add3A : vector<128x8192xf32>
    %get3A_18 = arith.constant 0 : index
    %get3A_19 = arith.constant 0 : index
    %get3A_20 = vector.load %arg2[%get3A_18, %get3A_19] : memref<1x1xf32, #tpu.memory_space<vmem>>, vector<1x1xf32>
    %get3A_21 = vector.extract %get3A_20[0, 0] : f32 from vector<1x1xf32>
    %get3A_22 = arith.constant 0 : index
    %get3A_23 = arith.constant 0 : index
    %get3A_24 = vector.load %arg11[%get3A_22, %get3A_23] : memref<128x8192xf32, #tpu.memory_space<vmem>>, vector<128x8192xf32>
    %sub3A_25 = arith.constant 5.000000e-01 : f32
    %sub3A_26 = vector.broadcast %sub3A_25 : f32 to vector<128x8192xf32>
    %sub3A_27 = arith.subf %get3A_24, %sub3A_26 : vector<128x8192xf32>
    %mul3A = vector.broadcast %get3A_21 : f32 to vector<128x8192xf32>
    %mul3A_28 = arith.mulf %mul3A, %sub3A_27 : vector<128x8192xf32>
    %add3A_29 = arith.constant 5.000000e-01 : f32
    %add3A_30 = vector.broadcast %add3A_29 : f32 to vector<128x8192xf32>
    %add3A_31 = arith.addf %mul3A_28, %add3A_30 : vector<128x8192xf32>
    %add3A_32 = arith.constant 9.99999968E-21 : f32
    %add3A_33 = vector.broadcast %add3A_32 : f32 to vector<128x8192xf32>
    %add3A_34 = arith.addf %add3A_31, %add3A_33 : vector<128x8192xf32>
    %log3A = math.log %add3A_34 : vector<128x8192xf32>
    %neg3A = arith.constant 0.000000e+00 : f32
    %neg3A_35 = vector.broadcast %neg3A : f32 to vector<128x8192xf32>
    %neg3A_36 = arith.subf %neg3A_35, %log3A : vector<128x8192xf32>
    %add3A_37 = arith.constant 9.99999968E-21 : f32
    %add3A_38 = vector.broadcast %add3A_37 : f32 to vector<128x8192xf32>
    %add3A_39 = arith.addf %neg3A_36, %add3A_38 : vector<128x8192xf32>
    %log3A_40 = math.log %add3A_39 : vector<128x8192xf32>
    %neg3A_41 = arith.constant 0.000000e+00 : f32
    %neg3A_42 = vector.broadcast %neg3A_41 : f32 to vector<128x8192xf32>
    %neg3A_43 = arith.subf %neg3A_42, %log3A_40 : vector<128x8192xf32>
    %add3A_44 = arith.addf %add3A_17, %neg3A_43 : vector<128x8192xf32>
    %slice3A = vector.extract_strided_slice %add3A_44 {offsets = [0, 0], sizes = [128, 128], strides = [1, 1]} : vector<128x8192xf32> to vector<128x128xf32>
    %reduce_max3A = arith.constant dense<0xFF800000> : vector<128xf32>
    %reduce_max3A_45 = vector.multi_reduction <maximumf>, %slice3A, %reduce_max3A [1] : vector<128x128xf32> to vector<128xf32>
    %broadcast_in_dim3A = vector.shape_cast %reduce_max3A_45 : vector<128xf32> to vector<128x1xf32>
    %eq3A = vector.broadcast %broadcast_in_dim3A : vector<128x1xf32> to vector<128x128xf32>
    %eq3A_46 = arith.cmpf oeq, %slice3A, %eq3A : vector<128x128xf32>
    %convert_element_type3A = arith.extui %eq3A_46 : vector<128x128xi1> to vector<128x128xi32>
    %convert_element_type3A_47 = arith.sitofp %convert_element_type3A : vector<128x128xi32> to vector<128x128xf32>
    %swap3A = arith.constant 0 : index
    %swap3A_48 = arith.constant 0 : index
    %swap3A_49 = vector.load %arg13[%swap3A, %swap3A_48] : memref<128x8192xf32, #tpu.memory_space<vmem>>, vector<128x128xf32>
    tpu.vector_store %arg13[%swap3A, %swap3A_48], %convert_element_type3A_47 {strides = array<i32>} : memref<128x8192xf32, #tpu.memory_space<vmem>>, vector<128x128xf32>,
    %slice3A_50 = vector.extract_strided_slice %add3A_44 {offsets = [0, 128], sizes = [128, 128], strides = [1, 1]} : vector<128x8192xf32> to vector<128x128xf32>
    %reduce_max3A_51 = arith.constant dense<0xFF800000> : vector<128xf32>
    %reduce_max3A_52 = vector.multi_reduction <maximumf>, %slice3A_50, %reduce_max3A_51 [1] : vector<128x128xf32> to vector<128xf32>
    %broadcast_in_dim3A_53 = vector.shape_cast %reduce_max3A_52 : vector<128xf32> to vector<128x1xf32>
    %eq3A_54 = vector.broadcast %broadcast_in_dim3A_53 : vector<128x1xf32> to vector<128x128xf32>
    %eq3A_55 = arith.cmpf oeq, %slice3A_50, %eq3A_54 : vector<128x128xf32>
    %convert_element_type3A_56 = arith.extui %eq3A_55 : vector<128x128xi1> to vector<128x128xi32>
    %convert_element_type3A_57 = arith.sitofp %convert_element_type3A_56 : vector<128x128xi32> to vector<128x128xf32>
    %swap3A_58 = arith.constant 0 : index
    %swap3A_59 = arith.constant 128 : index
    %swap3A_60 = vector.load %arg13[%swap3A_58, %swap3A_59] : memref<128x8192xf32, #tpu.memory_space<vmem>>, vector<128x128xf32>
    tpu.vector_store %arg13[%swap3A_58, %swap3A_59], %convert_element_type3A_57 {strides = array<i32>} : memref<128x8192xf32, #tpu.memory_space<vmem>>, vector<128x128xf32>,
    %slice3A_61 = vector.extract_strided_slice %add3A_44 {offsets = [0, 256], sizes = [128, 128], strides = [1, 1]} : vector<128x8192xf32> to vector<128x128xf32>
    %reduce_max3A_62 = arith.constant dense<0xFF800000> : vector<128xf32>
    %reduce_max3A_63 = vector.multi_reduction <maximumf>, %slice3A_61, %reduce_max3A_62 [1] : vector<128x128xf32> to vector<128xf32>
    %broadcast_in_dim3A_64 = vector.shape_cast %reduce_max3A_63 : vector<128xf32> to vector<128x1xf32>
    %eq3A_65 = vector.broadcast %broadcast_in_dim3A_64 : vector<128x1xf32> to vector<128x128xf32>
    %eq3A_66 = arith.cmpf oeq, %slice3A_61, %eq3A_65 : vector<128x128xf32>
    %convert_element_type3A_67 = arith.extui %eq3A_66 : vector<128x128xi1> to vector<128x128xi32>
    %convert_element_type3A_68 = arith.sitofp %convert_element_type3A_67 : vector<128x128xi32> to vector<128x128xf32>
    %swap3A_69 = arith.constant 0 : index
    %swap3A_70 = arith.constant 256 : index
    %swap3A_71 = vector.load %arg13[%swap3A_69, %swap3A_70] : memref<128x8192xf32, #tpu.memory_space<vmem>>, vector<128x128xf32>
    tpu.vector_store %arg13[%swap3A_69, %swap3A_70], %convert_element_type3A_68 {strides = array<i32>} : memref<128x8192xf32, #tpu.memory_space<vmem>>, vector<128x128xf32>,
    %slice3A_72 = vector.extract_strided_slice %add3A_44 {offsets = [0, 384], sizes = [128, 128], strides = [1, 1]} : vector<128x8192xf32> to vector<128x128xf32>
    %reduce_max3A_73 = arith.constant dense<0xFF800000> : vector<128xf32>
    %reduce_max3A_74 = vector.multi_reduction <maximumf>, %slice3A_72, %reduce_max3A_73 [1] : vector<128x128xf32> to vector<128xf32>
    %broadcast_in_dim3A_75 = vector.shape_cast %reduce_max3A_74 : vector<128xf32> to vector<128x1xf32>
    %eq3A_76 = vector.broadcast %broadcast_in_dim3A_75 : vector<128x1xf32> to vector<128x128xf32>
    %eq3A_77 = arith.cmpf oeq, %slice3A_72, %eq3A_76 : vector<128x128xf32>
    %convert_element_type3A_78 = arith.extui %eq3A_77 : vector<128x128xi1> to vector<128x128xi32>
    %convert_element_type3A_79 = arith.sitofp %convert_element_type3A_78 : vector<128x128xi32> to vector<128x128xf32>
    %swap3A_80 = arith.constant 0 : index
    %swap3A_81 = arith.constant 384 : index
    %swap3A_82 = vector.load %arg13[%swap3A_80, %swap3A_81] : memref<128x8192xf32, #tpu.memory_space<vmem>>, vector<128x128xf32>
    tpu.vector_store %arg13[%swap3A_80, %swap3A_81], %convert_element_type3A_79 {strides = array<i32>} : memref<128x8192xf32, #tpu.memory_space<vmem>>, vector<128x128xf32>,
    %slice3A_83 = vector.extract_strided_slice %add3A_44 {offsets = [0, 512], sizes = [128, 128], strides = [1, 1]} : vector<128x8192xf32> to vector<128x128xf32>
    %reduce_max3A_84 = arith.constant dense<0xFF800000> : vector<128xf32>
    %reduce_max3A_85 = vector.multi_reduction <maximumf>, %slice3A_83, %reduce_max3A_84 [1] : vector<128x128xf32> to vector<128xf32>
    %broadcast_in_dim3A_86 = vector.shape_cast %reduce_max3A_85 : vector<128xf32> to vector<128x1xf32>
    %eq3A_87 = vector.broadcast %broadcast_in_dim3A_86 : vector<128x1xf32> to vector<128x128xf32>
    %eq3A_88 = arith.cmpf oeq, %slice3A_83, %eq3A_87 : vector<128x128xf32>
    %convert_element_type3A_89 = arith.extui %eq3A_88 : vector<128x128xi1> to vector<128x128xi32>
    %convert_element_type3A_90 = arith.sitofp %convert_element_type3A_89 : vector<128x128xi32> to vector<128x128xf32>
    %swap3A_91 = arith.constant 0 : index
    %swap3A_92 = arith.constant 512 : index
    %swap3A_93 = vector.load %arg13[%swap3A_91, %swap3A_92] : memref<128x8192xf32, #tpu.memory_space<vmem>>, vector<128x128xf32>
    tpu.vector_store %arg13[%swap3A_91, %swap3A_92], %convert_element_type3A_90 {strides = array<i32>} : memref<128x8192xf32, #tpu.memory_space<vmem>>, vector<128x128xf32>,
    %slice3A_94 = vector.extract_strided_slice %add3A_44 {offsets = [0, 640], sizes = [128, 128], strides = [1, 1]} : vector<128x8192xf32> to vector<128x128xf32>
    %reduce_max3A_95 = arith.constant dense<0xFF800000> : vector<128xf32>
    %reduce_max3A_96 = vector.multi_reduction <maximumf>, %slice3A_94, %reduce_max3A_95 [1] : vector<128x128xf32> to vector<128xf32>
    %broadcast_in_dim3A_97 = vector.shape_cast %reduce_max3A_96 : vector<128xf32> to vector<128x1xf32>
    %eq3A_98 = vector.broadcast %broadcast_in_dim3A_97 : vector<128x1xf32> to vector<128x128xf32>
    %eq3A_99 = arith.cmpf oeq, %slice3A_94, %eq3A_98 : vector<128x128xf32>
    %convert_element_type3A_100 = arith.extui %eq3A_99 : vector<128x128xi1> to vector<128x128xi32>
    %convert_element_type3A_101 = arith.sitofp %convert_element_type3A_100 : vector<128x128xi32> to vector<128x128xf32>
    %swap3A_102 = arith.constant 0 : index
    %swap3A_103 = arith.constant 640 : index
    %swap3A_104 = vector.load %arg13[%swap3A_102, %swap3A_103] : memref<128x8192xf32, #tpu.memory_space<vmem>>, vector<128x128xf32>
    tpu.vector_store %arg13[%swap3A_102, %swap3A_103], %convert_element_type3A_101 {strides = array<i32>} : memref<128x8192xf32, #tpu.memory_space<vmem>>, vector<128x128xf32>,
    %slice3A_105 = vector.extract_strided_slice %add3A_44 {offsets = [0, 768], sizes = [128, 128], strides = [1, 1]} : vector<128x8192xf32> to vector<128x128xf32>
    %reduce_max3A_106 = arith.constant dense<0xFF800000> : vector<128xf32>
    %reduce_max3A_107 = vector.multi_reduction <maximumf>, %slice3A_105, %reduce_max3A_106 [1] : vector<128x128xf32> to vector<128xf32>
    %broadcast_in_dim3A_108 = vector.shape_cast %reduce_max3A_107 : vector<128xf32> to vector<128x1xf32>
    %eq3A_109 = vector.broadcast %broadcast_in_dim3A_108 : vector<128x1xf32> to vector<128x128xf32>
    %eq3A_110 = arith.cmpf oeq, %slice3A_105, %eq3A_109 : vector<128x128xf32>
    %convert_element_type3A_111 = arith.extui %eq3A_110 : vector<128x128xi1> to vector<128x128xi32>
    %convert_element_type3A_112 = arith.sitofp %convert_element_type3A_111 : vector<128x128xi32> to vector<128x128xf32>
    %swap3A_113 = arith.constant 0 : index
    %swap3A_114 = arith.constant 768 : index
    %swap3A_115 = vector.load %arg13[%swap3A_113, %swap3A_114] : memref<128x8192xf32, #tpu.memory_space<vmem>>, vector<128x128xf32>
    tpu.vector_store %arg13[%swap3A_113, %swap3A_114], %convert_element_type3A_112 {strides = array<i32>} : memref<128x8192xf32, #tpu.memory_space<vmem>>, vector<128x128xf32>,
    %slice3A_116 = vector.extract_strided_slice %add3A_44 {offsets = [0, 896], sizes = [128, 128], strides = [1, 1]} : vector<128x8192xf32> to vector<128x128xf32>
    %reduce_max3A_117 = arith.constant dense<0xFF800000> : vector<128xf32>
    %reduce_max3A_118 = vector.multi_reduction <maximumf>, %slice3A_116, %reduce_max3A_117 [1] : vector<128x128xf32> to vector<128xf32>
    %broadcast_in_dim3A_119 = vector.shape_cast %reduce_max3A_118 : vector<128xf32> to vector<128x1xf32>
    %eq3A_120 = vector.broadcast %broadcast_in_dim3A_119 : vector<128x1xf32> to vector<128x128xf32>
    %eq3A_121 = arith.cmpf oeq, %slice3A_116, %eq3A_120 : vector<128x128xf32>
    %convert_element_type3A_122 = arith.extui %eq3A_121 : vector<128x128xi1> to vector<128x128xi32>
    %convert_element_type3A_123 = arith.sitofp %convert_element_type3A_122 : vector<128x128xi32> to vector<128x128xf32>
    %swap3A_124 = arith.constant 0 : index
    %swap3A_125 = arith.constant 896 : index
    %swap3A_126 = vector.load %arg13[%swap3A_124, %swap3A_125] : memref<128x8192xf32, #tpu.memory_space<vmem>>, vector<128x128xf32>
    tpu.vector_store %arg13[%swap3A_124, %swap3A_125], %convert_element_type3A_123 {strides = array<i32>} : memref<128x8192xf32, #tpu.memory_space<vmem>>, vector<128x128xf32>,
    %slice3A_127 = vector.extract_strided_slice %add3A_44 {offsets = [0, 1024], sizes = [128, 128], strides = [1, 1]} : vector<128x8192xf32> to vector<128x128xf32>
    %reduce_max3A_128 = arith.constant dense<0xFF800000> : vector<128xf32>
    %reduce_max3A_129 = vector.multi_reduction <maximumf>, %slice3A_127, %reduce_max3A_128 [1] : vector<128x128xf32> to vector<128xf32>
    %broadcast_in_dim3A_130 = vector.shape_cast %reduce_max3A_129 : vector<128xf32> to vector<128x1xf32>
    %eq3A_131 = vector.broadcast %broadcast_in_dim3A_130 : vector<128x1xf32> to vector<128x128xf32>
    %eq3A_132 = arith.cmpf oeq, %slice3A_127, %eq3A_131 : vector<128x128xf32>
    %convert_element_type3A_133 = arith.extui %eq3A_132 : vector<128x128xi1> to vector<128x128xi32>
    %convert_element_type3A_134 = arith.sitofp %convert_element_type3A_133 : vector<128x128xi32> to vector<128x128xf32>
    %swap3A_135 = arith.constant 0 : index
    %swap3A_136 = arith.constant 1024 : index
    %swap3A_137 = vector.load %arg13[%swap3A_135, %swap3A_136] : memref<128x8192xf32, #tpu.memory_space<vmem>>, vector<128x128xf32>
    tpu.vector_store %arg13[%swap3A_135, %swap3A_136], %convert_element_type3A_134 {strides = array<i32>} : memref<128x8192xf32, #tpu.memory_space<vmem>>, vector<128x128xf32>,
    %slice3A_138 = vector.extract_strided_slice %add3A_44 {offsets = [0, 1152], sizes = [128, 128], strides = [1, 1]} : vector<128x8192xf32> to vector<128x128xf32>
    %reduce_max3A_139 = arith.constant dense<0xFF800000> : vector<128xf32>
    %reduce_max3A_140 = vector.multi_reduction <maximumf>, %slice3A_138, %reduce_max3A_139 [1] : vector<128x128xf32> to vector<128xf32>
    %broadcast_in_dim3A_141 = vector.shape_cast %reduce_max3A_140 : vector<128xf32> to vector<128x1xf32>
    %eq3A_142 = vector.broadcast %broadcast_in_dim3A_141 : vector<128x1xf32> to vector<128x128xf32>
    %eq3A_143 = arith.cmpf oeq, %slice3A_138, %eq3A_142 : vector<128x128xf32>
    %convert_element_type3A_144 = arith.extui %eq3A_143 : vector<128x128xi1> to vector<128x128xi32>
    %convert_element_type3A_145 = arith.sitofp %convert_element_type3A_144 : vector<128x128xi32> to vector<128x128xf32>
    %swap3A_146 = arith.constant 0 : index
    %swap3A_147 = arith.constant 1152 : index
    %swap3A_148 = vector.load %arg13[%swap3A_146, %swap3A_147] : memref<128x8192xf32, #tpu.memory_space<vmem>>, vector<128x128xf32>
    tpu.vector_store %arg13[%swap3A_146, %swap3A_147], %convert_element_type3A_145 {strides = array<i32>} : memref<128x8192xf32, #tpu.memory_space<vmem>>, vector<128x128xf32>,
    %slice3A_149 = vector.extract_strided_slice %add3A_44 {offsets = [0, 1280], sizes = [128, 128], strides = [1, 1]} : vector<128x8192xf32> to vector<128x128xf32>
    %reduce_max3A_150 = arith.constant dense<0xFF800000> : vector<128xf32>
    %reduce_max3A_151 = vector.multi_reduction <maximumf>, %slice3A_149, %reduce_max3A_150 [1] : vector<128x128xf32> to vector<128xf32>
    %broadcast_in_dim3A_152 = vector.shape_cast %reduce_max3A_151 : vector<128xf32> to vector<128x1xf32>
    %eq3A_153 = vector.broadcast %broadcast_in_dim3A_152 : vector<128x1xf32> to vector<128x128xf32>
    %eq3A_154 = arith.cmpf oeq, %slice3A_149, %eq3A_153 : vector<128x128xf32>
    %convert_element_type3A_155 = arith.extui %eq3A_154 : vector<128x128xi1> to vector<128x128xi32>
    %convert_element_type3A_156 = arith.sitofp %convert_element_type3A_155 : vector<128x128xi32> to vector<128x128xf32>
    %swap3A_157 = arith.constant 0 : index
    %swap3A_158 = arith.constant 1280 : index
    %swap3A_159 = vector.load %arg13[%swap3A_157, %swap3A_158] : memref<128x8192xf32, #tpu.memory_space<vmem>>, vector<128x128xf32>
    tpu.vector_store %arg13[%swap3A_157, %swap3A_158], %convert_element_type3A_156 {strides = array<i32>} : memref<128x8192xf32, #tpu.memory_space<vmem>>, vector<128x128xf32>,
    %slice3A_160 = vector.extract_strided_slice %add3A_44 {offsets = [0, 1408], sizes = [128, 128], strides = [1, 1]} : vector<128x8192xf32> to vector<128x128xf32>
    %reduce_max3A_161 = arith.constant dense<0xFF800000> : vector<128xf32>
    %reduce_max3A_162 = vector.multi_reduction <maximumf>, %slice3A_160, %reduce_max3A_161 [1] : vector<128x128xf32> to vector<128xf32>
    %broadcast_in_dim3A_163 = vector.shape_cast %reduce_max3A_162 : vector<128xf32> to vector<128x1xf32>
    %eq3A_164 = vector.broadcast %broadcast_in_dim3A_163 : vector<128x1xf32> to vector<128x128xf32>
    %eq3A_165 = arith.cmpf oeq, %slice3A_160, %eq3A_164 : vector<128x128xf32>
    %convert_element_type3A_166 = arith.extui %eq3A_165 : vector<128x128xi1> to vector<128x128xi32>
    %convert_element_type3A_167 = arith.sitofp %convert_element_type3A_166 : vector<128x128xi32> to vector<128x128xf32>
    %swap3A_168 = arith.constant 0 : index
    %swap3A_169 = arith.constant 1408 : index
    %swap3A_170 = vector.load %arg13[%swap3A_168, %swap3A_169] : memref<128x8192xf32, #tpu.memory_space<vmem>>, vector<128x128xf32>
    tpu.vector_store %arg13[%swap3A_168, %swap3A_169], %convert_element_type3A_167 {strides = array<i32>} : memref<128x8192xf32, #tpu.memory_space<vmem>>, vector<128x128xf32>,
    %slice3A_171 = vector.extract_strided_slice %add3A_44 {offsets = [0, 1536], sizes = [128, 128], strides = [1, 1]} : vector<128x8192xf32> to vector<128x128xf32>
    %reduce_max3A_172 = arith.constant dense<0xFF800000> : vector<128xf32>
    %reduce_max3A_173 = vector.multi_reduction <maximumf>, %slice3A_171, %reduce_max3A_172 [1] : vector<128x128xf32> to vector<128xf32>
    %broadcast_in_dim3A_174 = vector.shape_cast %reduce_max3A_173 : vector<128xf32> to vector<128x1xf32>
    %eq3A_175 = vector.broadcast %broadcast_in_dim3A_174 : vector<128x1xf32> to vector<128x128xf32>
    %eq3A_176 = arith.cmpf oeq, %slice3A_171, %eq3A_175 : vector<128x128xf32>
    %convert_element_type3A_177 = arith.extui %eq3A_176 : vector<128x128xi1> to vector<128x128xi32>
    %convert_element_type3A_178 = arith.sitofp %convert_element_type3A_177 : vector<128x128xi32> to vector<128x128xf32>
    %swap3A_179 = arith.constant 0 : index
    %swap3A_180 = arith.constant 1536 : index
    %swap3A_181 = vector.load %arg13[%swap3A_179, %swap3A_180] : memref<128x8192xf32, #tpu.memory_space<vmem>>, vector<128x128xf32>
    tpu.vector_store %arg13[%swap3A_179, %swap3A_180], %convert_element_type3A_178 {strides = array<i32>} : memref<128x8192xf32, #tpu.memory_space<vmem>>, vector<128x128xf32>,
    %slice3A_182 = vector.extract_strided_slice %add3A_44 {offsets = [0, 1664], sizes = [128, 128], strides = [1, 1]} : vector<128x8192xf32> to vector<128x128xf32>
    %reduce_max3A_183 = arith.constant dense<0xFF800000> : vector<128xf32>
    %reduce_max3A_184 = vector.multi_reduction <maximumf>, %slice3A_182, %reduce_max3A_183 [1] : vector<128x128xf32> to vector<128xf32>
    %broadcast_in_dim3A_185 = vector.shape_cast %reduce_max3A_184 : vector<128xf32> to vector<128x1xf32>
    %eq3A_186 = vector.broadcast %broadcast_in_dim3A_185 : vector<128x1xf32> to vector<128x128xf32>
    %eq3A_187 = arith.cmpf oeq, %slice3A_182, %eq3A_186 : vector<128x128xf32>
    %convert_element_type3A_188 = arith.extui %eq3A_187 : vector<128x128xi1> to vector<128x128xi32>
    %convert_element_type3A_189 = arith.sitofp %convert_element_type3A_188 : vector<128x128xi32> to vector<128x128xf32>
    %swap3A_190 = arith.constant 0 : index
    %swap3A_191 = arith.constant 1664 : index
    %swap3A_192 = vector.load %arg13[%swap3A_190, %swap3A_191] : memref<128x8192xf32, #tpu.memory_space<vmem>>, vector<128x128xf32>
    tpu.vector_store %arg13[%swap3A_190, %swap3A_191], %convert_element_type3A_189 {strides = array<i32>} : memref<128x8192xf32, #tpu.memory_space<vmem>>, vector<128x128xf32>,
    %slice3A_193 = vector.extract_strided_slice %add3A_44 {offsets = [0, 1792], sizes = [128, 128], strides = [1, 1]} : vector<128x8192xf32> to vector<128x128xf32>
    %reduce_max3A_194 = arith.constant dense<0xFF800000> : vector<128xf32>
    %reduce_max3A_195 = vector.multi_reduction <maximumf>, %slice3A_193, %reduce_max3A_194 [1] : vector<128x128xf32> to vector<128xf32>
    %broadcast_in_dim3A_196 = vector.shape_cast %reduce_max3A_195 : vector<128xf32> to vector<128x1xf32>
    %eq3A_197 = vector.broadcast %broadcast_in_dim3A_196 : vector<128x1xf32> to vector<128x128xf32>
    %eq3A_198 = arith.cmpf oeq, %slice3A_193, %eq3A_197 : vector<128x128xf32>
    %convert_element_type3A_199 = arith.extui %eq3A_198 : vector<128x128xi1> to vector<128x128xi32>
    %convert_element_type3A_200 = arith.sitofp %convert_element_type3A_199 : vector<128x128xi32> to vector<128x128xf32>
    %swap3A_201 = arith.constant 0 : index
    %swap3A_202 = arith.constant 1792 : index
    %swap3A_203 = vector.load %arg13[%swap3A_201, %swap3A_202] : memref<128x8192xf32, #tpu.memory_space<vmem>>, vector<128x128xf32>
    tpu.vector_store %arg13[%swap3A_201, %swap3A_202], %convert_element_type3A_200 {strides = array<i32>} : memref<128x8192xf32, #tpu.memory_space<vmem>>, vector<128x128xf32>,
    %slice3A_204 = vector.extract_strided_slice %add3A_44 {offsets = [0, 1920], sizes = [128, 128], strides = [1, 1]} : vector<128x8192xf32> to vector<128x128xf32>
    %reduce_max3A_205 = arith.constant dense<0xFF800000> : vector<128xf32>
    %reduce_max3A_206 = vector.multi_reduction <maximumf>, %slice3A_204, %reduce_max3A_205 [1] : vector<128x128xf32> to vector<128xf32>
    %broadcast_in_dim3A_207 = vector.shape_cast %reduce_max3A_206 : vector<128xf32> to vector<128x1xf32>
    %eq3A_208 = vector.broadcast %broadcast_in_dim3A_207 : vector<128x1xf32> to vector<128x128xf32>
    %eq3A_209 = arith.cmpf oeq, %slice3A_204, %eq3A_208 : vector<128x128xf32>
    %convert_element_type3A_210 = arith.extui %eq3A_209 : vector<128x128xi1> to vector<128x128xi32>
    %convert_element_type3A_211 = arith.sitofp %convert_element_type3A_210 : vector<128x128xi32> to vector<128x128xf32>
    %swap3A_212 = arith.constant 0 : index
    %swap3A_213 = arith.constant 1920 : index
    %swap3A_214 = vector.load %arg13[%swap3A_212, %swap3A_213] : memref<128x8192xf32, #tpu.memory_space<vmem>>, vector<128x128xf32>
    tpu.vector_store %arg13[%swap3A_212, %swap3A_213], %convert_element_type3A_211 {strides = array<i32>} : memref<128x8192xf32, #tpu.memory_space<vmem>>, vector<128x128xf32>,
    %slice3A_215 = vector.extract_strided_slice %add3A_44 {offsets = [0, 2048], sizes = [128, 128], strides = [1, 1]} : vector<128x8192xf32> to vector<128x128xf32>
    %reduce_max3A_216 = arith.constant dense<0xFF800000> : vector<128xf32>
    %reduce_max3A_217 = vector.multi_reduction <maximumf>, %slice3A_215, %reduce_max3A_216 [1] : vector<128x128xf32> to vector<128xf32>
    %broadcast_in_dim3A_218 = vector.shape_cast %reduce_max3A_217 : vector<128xf32> to vector<128x1xf32>
    %eq3A_219 = vector.broadcast %broadcast_in_dim3A_218 : vector<128x1xf32> to vector<128x128xf32>
    %eq3A_220 = arith.cmpf oeq, %slice3A_215, %eq3A_219 : vector<128x128xf32>
    %convert_element_type3A_221 = arith.extui %eq3A_220 : vector<128x128xi1> to vector<128x128xi32>
    %convert_element_type3A_222 = arith.sitofp %convert_element_type3A_221 : vector<128x128xi32> to vector<128x128xf32>
    %swap3A_223 = arith.constant 0 : index
    %swap3A_224 = arith.constant 2048 : index
    %swap3A_225 = vector.load %arg13[%swap3A_223, %swap3A_224] : memref<128x8192xf32, #tpu.memory_space<vmem>>, vector<128x128xf32>
    tpu.vector_store %arg13[%swap3A_223, %swap3A_224], %convert_element_type3A_222 {strides = array<i32>} : memref<128x8192xf32, #tpu.memory_space<vmem>>, vector<128x128xf32>,
    %slice3A_226 = vector.extract_strided_slice %add3A_44 {offsets = [0, 2176], sizes = [128, 128], strides = [1, 1]} : vector<128x8192xf32> to vector<128x128xf32>
    %reduce_max3A_227 = arith.constant dense<0xFF800000> : vector<128xf32>
    %reduce_max3A_228 = vector.multi_reduction <maximumf>, %slice3A_226, %reduce_max3A_227 [1] : vector<128x128xf32> to vector<128xf32>
    %broadcast_in_dim3A_229 = vector.shape_cast %reduce_max3A_228 : vector<128xf32> to vector<128x1xf32>
    %eq3A_230 = vector.broadcast %broadcast_in_dim3A_229 : vector<128x1xf32> to vector<128x128xf32>
    %eq3A_231 = arith.cmpf oeq, %slice3A_226, %eq3A_230 : vector<128x128xf32>
    %convert_element_type3A_232 = arith.extui %eq3A_231 : vector<128x128xi1> to vector<128x128xi32>
    %convert_element_type3A_233 = arith.sitofp %convert_element_type3A_232 : vector<128x128xi32> to vector<128x128xf32>
    %swap3A_234 = arith.constant 0 : index
    %swap3A_235 = arith.constant 2176 : index
    %swap3A_236 = vector.load %arg13[%swap3A_234, %swap3A_235] : memref<128x8192xf32, #tpu.memory_space<vmem>>, vector<128x128xf32>
    tpu.vector_store %arg13[%swap3A_234, %swap3A_235], %convert_element_type3A_233 {strides = array<i32>} : memref<128x8192xf32, #tpu.memory_space<vmem>>, vector<128x128xf32>,
    %slice3A_237 = vector.extract_strided_slice %add3A_44 {offsets = [0, 2304], sizes = [128, 128], strides = [1, 1]} : vector<128x8192xf32> to vector<128x128xf32>
    %reduce_max3A_238 = arith.constant dense<0xFF800000> : vector<128xf32>
    %reduce_max3A_239 = vector.multi_reduction <maximumf>, %slice3A_237, %reduce_max3A_238 [1] : vector<128x128xf32> to vector<128xf32>
    %broadcast_in_dim3A_240 = vector.shape_cast %reduce_max3A_239 : vector<128xf32> to vector<128x1xf32>
    %eq3A_241 = vector.broadcast %broadcast_in_dim3A_240 : vector<128x1xf32> to vector<128x128xf32>
    %eq3A_242 = arith.cmpf oeq, %slice3A_237, %eq3A_241 : vector<128x128xf32>
    %convert_element_type3A_243 = arith.extui %eq3A_242 : vector<128x128xi1> to vector<128x128xi32>
    %convert_element_type3A_244 = arith.sitofp %convert_element_type3A_243 : vector<128x128xi32> to vector<128x128xf32>
    %swap3A_245 = arith.constant 0 : index
    %swap3A_246 = arith.constant 2304 : index
    %swap3A_247 = vector.load %arg13[%swap3A_245, %swap3A_246] : memref<128x8192xf32, #tpu.memory_space<vmem>>, vector<128x128xf32>
    tpu.vector_store %arg13[%swap3A_245, %swap3A_246], %convert_element_type3A_244 {strides = array<i32>} : memref<128x8192xf32, #tpu.memory_space<vmem>>, vector<128x128xf32>,
    %slice3A_248 = vector.extract_strided_slice %add3A_44 {offsets = [0, 2432], sizes = [128, 128], strides = [1, 1]} : vector<128x8192xf32> to vector<128x128xf32>
    %reduce_max3A_249 = arith.constant dense<0xFF800000> : vector<128xf32>
    %reduce_max3A_250 = vector.multi_reduction <maximumf>, %slice3A_248, %reduce_max3A_249 [1] : vector<128x128xf32> to vector<128xf32>
    %broadcast_in_dim3A_251 = vector.shape_cast %reduce_max3A_250 : vector<128xf32> to vector<128x1xf32>
    %eq3A_252 = vector.broadcast %broadcast_in_dim3A_251 : vector<128x1xf32> to vector<128x128xf32>
    %eq3A_253 = arith.cmpf oeq, %slice3A_248, %eq3A_252 : vector<128x128xf32>
    %convert_element_type3A_254 = arith.extui %eq3A_253 : vector<128x128xi1> to vector<128x128xi32>
    %convert_element_type3A_255 = arith.sitofp %convert_element_type3A_254 : vector<128x128xi32> to vector<128x128xf32>
    %swap3A_256 = arith.constant 0 : index
    %swap3A_257 = arith.constant 2432 : index
    %swap3A_258 = vector.load %arg13[%swap3A_256, %swap3A_257] : memref<128x8192xf32, #tpu.memory_space<vmem>>, vector<128x128xf32>
    tpu.vector_store %arg13[%swap3A_256, %swap3A_257], %convert_element_type3A_255 {strides = array<i32>} : memref<128x8192xf32, #tpu.memory_space<vmem>>, vector<128x128xf32>,
    %slice3A_259 = vector.extract_strided_slice %add3A_44 {offsets = [0, 2560], sizes = [128, 128], strides = [1, 1]} : vector<128x8192xf32> to vector<128x128xf32>
    %reduce_max3A_260 = arith.constant dense<0xFF800000> : vector<128xf32>
    %reduce_max3A_261 = vector.multi_reduction <maximumf>, %slice3A_259, %reduce_max3A_260 [1] : vector<128x128xf32> to vector<128xf32>
    %broadcast_in_dim3A_262 = vector.shape_cast %reduce_max3A_261 : vector<128xf32> to vector<128x1xf32>
    %eq3A_263 = vector.broadcast %broadcast_in_dim3A_262 : vector<128x1xf32> to vector<128x128xf32>
    %eq3A_264 = arith.cmpf oeq, %slice3A_259, %eq3A_263 : vector<128x128xf32>
    %convert_element_type3A_265 = arith.extui %eq3A_264 : vector<128x128xi1> to vector<128x128xi32>
    %convert_element_type3A_266 = arith.sitofp %convert_element_type3A_265 : vector<128x128xi32> to vector<128x128xf32>
    %swap3A_267 = arith.constant 0 : index
    %swap3A_268 = arith.constant 2560 : index
    %swap3A_269 = vector.load %arg13[%swap3A_267, %swap3A_268] : memref<128x8192xf32, #tpu.memory_space<vmem>>, vector<128x128xf32>
    tpu.vector_store %arg13[%swap3A_267, %swap3A_268], %convert_element_type3A_266 {strides = array<i32>} : memref<128x8192xf32, #tpu.memory_space<vmem>>, vector<128x128xf32>,
    %slice3A_270 = vector.extract_strided_slice %add3A_44 {offsets = [0, 2688], sizes = [128, 128], strides = [1, 1]} : vector<128x8192xf32> to vector<128x128xf32>
    %reduce_max3A_271 = arith.constant dense<0xFF800000> : vector<128xf32>
    %reduce_max3A_272 = vector.multi_reduction <maximumf>, %slice3A_270, %reduce_max3A_271 [1] : vector<128x128xf32> to vector<128xf32>
    %broadcast_in_dim3A_273 = vector.shape_cast %reduce_max3A_272 : vector<128xf32> to vector<128x1xf32>
    %eq3A_274 = vector.broadcast %broadcast_in_dim3A_273 : vector<128x1xf32> to vector<128x128xf32>
    %eq3A_275 = arith.cmpf oeq, %slice3A_270, %eq3A_274 : vector<128x128xf32>
    %convert_element_type3A_276 = arith.extui %eq3A_275 : vector<128x128xi1> to vector<128x128xi32>
    %convert_element_type3A_277 = arith.sitofp %convert_element_type3A_276 : vector<128x128xi32> to vector<128x128xf32>
    %swap3A_278 = arith.constant 0 : index
    %swap3A_279 = arith.constant 2688 : index
    %swap3A_280 = vector.load %arg13[%swap3A_278, %swap3A_279] : memref<128x8192xf32, #tpu.memory_space<vmem>>, vector<128x128xf32>
    tpu.vector_store %arg13[%swap3A_278, %swap3A_279], %convert_element_type3A_277 {strides = array<i32>} : memref<128x8192xf32, #tpu.memory_space<vmem>>, vector<128x128xf32>,
    %slice3A_281 = vector.extract_strided_slice %add3A_44 {offsets = [0, 2816], sizes = [128, 128], strides = [1, 1]} : vector<128x8192xf32> to vector<128x128xf32>
    %reduce_max3A_282 = arith.constant dense<0xFF800000> : vector<128xf32>
    %reduce_max3A_283 = vector.multi_reduction <maximumf>, %slice3A_281, %reduce_max3A_282 [1] : vector<128x128xf32> to vector<128xf32>
    %broadcast_in_dim3A_284 = vector.shape_cast %reduce_max3A_283 : vector<128xf32> to vector<128x1xf32>
    %eq3A_285 = vector.broadcast %broadcast_in_dim3A_284 : vector<128x1xf32> to vector<128x128xf32>
    %eq3A_286 = arith.cmpf oeq, %slice3A_281, %eq3A_285 : vector<128x128xf32>
    %convert_element_type3A_287 = arith.extui %eq3A_286 : vector<128x128xi1> to vector<128x128xi32>
    %convert_element_type3A_288 = arith.sitofp %convert_element_type3A_287 : vector<128x128xi32> to vector<128x128xf32>
    %swap3A_289 = arith.constant 0 : index
    %swap3A_290 = arith.constant 2816 : index
    %swap3A_291 = vector.load %arg13[%swap3A_289, %swap3A_290] : memref<128x8192xf32, #tpu.memory_space<vmem>>, vector<128x128xf32>
    tpu.vector_store %arg13[%swap3A_289, %swap3A_290], %convert_element_type3A_288 {strides = array<i32>} : memref<128x8192xf32, #tpu.memory_space<vmem>>, vector<128x128xf32>,
    %slice3A_292 = vector.extract_strided_slice %add3A_44 {offsets = [0, 2944], sizes = [128, 128], strides = [1, 1]} : vector<128x8192xf32> to vector<128x128xf32>
    %reduce_max3A_293 = arith.constant dense<0xFF800000> : vector<128xf32>
    %reduce_max3A_294 = vector.multi_reduction <maximumf>, %slice3A_292, %reduce_max3A_293 [1] : vector<128x128xf32> to vector<128xf32>
    %broadcast_in_dim3A_295 = vector.shape_cast %reduce_max3A_294 : vector<128xf32> to vector<128x1xf32>
    %eq3A_296 = vector.broadcast %broadcast_in_dim3A_295 : vector<128x1xf32> to vector<128x128xf32>
    %eq3A_297 = arith.cmpf oeq, %slice3A_292, %eq3A_296 : vector<128x128xf32>
    %convert_element_type3A_298 = arith.extui %eq3A_297 : vector<128x128xi1> to vector<128x128xi32>
    %convert_element_type3A_299 = arith.sitofp %convert_element_type3A_298 : vector<128x128xi32> to vector<128x128xf32>
    %swap3A_300 = arith.constant 0 : index
    %swap3A_301 = arith.constant 2944 : index
    %swap3A_302 = vector.load %arg13[%swap3A_300, %swap3A_301] : memref<128x8192xf32, #tpu.memory_space<vmem>>, vector<128x128xf32>
    tpu.vector_store %arg13[%swap3A_300, %swap3A_301], %convert_element_type3A_299 {strides = array<i32>} : memref<128x8192xf32, #tpu.memory_space<vmem>>, vector<128x128xf32>,
    %slice3A_303 = vector.extract_strided_slice %add3A_44 {offsets = [0, 3072], sizes = [128, 128], strides = [1, 1]} : vector<128x8192xf32> to vector<128x128xf32>
    %reduce_max3A_304 = arith.constant dense<0xFF800000> : vector<128xf32>
    %reduce_max3A_305 = vector.multi_reduction <maximumf>, %slice3A_303, %reduce_max3A_304 [1] : vector<128x128xf32> to vector<128xf32>
    %broadcast_in_dim3A_306 = vector.shape_cast %reduce_max3A_305 : vector<128xf32> to vector<128x1xf32>
    %eq3A_307 = vector.broadcast %broadcast_in_dim3A_306 : vector<128x1xf32> to vector<128x128xf32>
    %eq3A_308 = arith.cmpf oeq, %slice3A_303, %eq3A_307 : vector<128x128xf32>
    %convert_element_type3A_309 = arith.extui %eq3A_308 : vector<128x128xi1> to vector<128x128xi32>
    %convert_element_type3A_310 = arith.sitofp %convert_element_type3A_309 : vector<128x128xi32> to vector<128x128xf32>
    %swap3A_311 = arith.constant 0 : index
    %swap3A_312 = arith.constant 3072 : index
    %swap3A_313 = vector.load %arg13[%swap3A_311, %swap3A_312] : memref<128x8192xf32, #tpu.memory_space<vmem>>, vector<128x128xf32>
    tpu.vector_store %arg13[%swap3A_311, %swap3A_312], %convert_element_type3A_310 {strides = array<i32>} : memref<128x8192xf32, #tpu.memory_space<vmem>>, vector<128x128xf32>,
    %slice3A_314 = vector.extract_strided_slice %add3A_44 {offsets = [0, 3200], sizes = [128, 128], strides = [1, 1]} : vector<128x8192xf32> to vector<128x128xf32>
    %reduce_max3A_315 = arith.constant dense<0xFF800000> : vector<128xf32>
    %reduce_max3A_316 = vector.multi_reduction <maximumf>, %slice3A_314, %reduce_max3A_315 [1] : vector<128x128xf32> to vector<128xf32>
    %broadcast_in_dim3A_317 = vector.shape_cast %reduce_max3A_316 : vector<128xf32> to vector<128x1xf32>
    %eq3A_318 = vector.broadcast %broadcast_in_dim3A_317 : vector<128x1xf32> to vector<128x128xf32>
    %eq3A_319 = arith.cmpf oeq, %slice3A_314, %eq3A_318 : vector<128x128xf32>
    %convert_element_type3A_320 = arith.extui %eq3A_319 : vector<128x128xi1> to vector<128x128xi32>
    %convert_element_type3A_321 = arith.sitofp %convert_element_type3A_320 : vector<128x128xi32> to vector<128x128xf32>
    %swap3A_322 = arith.constant 0 : index
    %swap3A_323 = arith.constant 3200 : index
    %swap3A_324 = vector.load %arg13[%swap3A_322, %swap3A_323] : memref<128x8192xf32, #tpu.memory_space<vmem>>, vector<128x128xf32>
    tpu.vector_store %arg13[%swap3A_322, %swap3A_323], %convert_element_type3A_321 {strides = array<i32>} : memref<128x8192xf32, #tpu.memory_space<vmem>>, vector<128x128xf32>,
    %slice3A_325 = vector.extract_strided_slice %add3A_44 {offsets = [0, 3328], sizes = [128, 128], strides = [1, 1]} : vector<128x8192xf32> to vector<128x128xf32>
    %reduce_max3A_326 = arith.constant dense<0xFF800000> : vector<128xf32>
    %reduce_max3A_327 = vector.multi_reduction <maximumf>, %slice3A_325, %reduce_max3A_326 [1] : vector<128x128xf32> to vector<128xf32>
    %broadcast_in_dim3A_328 = vector.shape_cast %reduce_max3A_327 : vector<128xf32> to vector<128x1xf32>
    %eq3A_329 = vector.broadcast %broadcast_in_dim3A_328 : vector<128x1xf32> to vector<128x128xf32>
    %eq3A_330 = arith.cmpf oeq, %slice3A_325, %eq3A_329 : vector<128x128xf32>
    %convert_element_type3A_331 = arith.extui %eq3A_330 : vector<128x128xi1> to vector<128x128xi32>
    %convert_element_type3A_332 = arith.sitofp %convert_element_type3A_331 : vector<128x128xi32> to vector<128x128xf32>
    %swap3A_333 = arith.constant 0 : index
    %swap3A_334 = arith.constant 3328 : index
    %swap3A_335 = vector.load %arg13[%swap3A_333, %swap3A_334] : memref<128x8192xf32, #tpu.memory_space<vmem>>, vector<128x128xf32>
    tpu.vector_store %arg13[%swap3A_333, %swap3A_334], %convert_element_type3A_332 {strides = array<i32>} : memref<128x8192xf32, #tpu.memory_space<vmem>>, vector<128x128xf32>,
    %slice3A_336 = vector.extract_strided_slice %add3A_44 {offsets = [0, 3456], sizes = [128, 128], strides = [1, 1]} : vector<128x8192xf32> to vector<128x128xf32>
    %reduce_max3A_337 = arith.constant dense<0xFF800000> : vector<128xf32>
    %reduce_max3A_338 = vector.multi_reduction <maximumf>, %slice3A_336, %reduce_max3A_337 [1] : vector<128x128xf32> to vector<128xf32>
    %broadcast_in_dim3A_339 = vector.shape_cast %reduce_max3A_338 : vector<128xf32> to vector<128x1xf32>
    %eq3A_340 = vector.broadcast %broadcast_in_dim3A_339 : vector<128x1xf32> to vector<128x128xf32>
    %eq3A_341 = arith.cmpf oeq, %slice3A_336, %eq3A_340 : vector<128x128xf32>
    %convert_element_type3A_342 = arith.extui %eq3A_341 : vector<128x128xi1> to vector<128x128xi32>
    %convert_element_type3A_343 = arith.sitofp %convert_element_type3A_342 : vector<128x128xi32> to vector<128x128xf32>
    %swap3A_344 = arith.constant 0 : index
    %swap3A_345 = arith.constant 3456 : index
    %swap3A_346 = vector.load %arg13[%swap3A_344, %swap3A_345] : memref<128x8192xf32, #tpu.memory_space<vmem>>, vector<128x128xf32>
    tpu.vector_store %arg13[%swap3A_344, %swap3A_345], %convert_element_type3A_343 {strides = array<i32>} : memref<128x8192xf32, #tpu.memory_space<vmem>>, vector<128x128xf32>,
    %slice3A_347 = vector.extract_strided_slice %add3A_44 {offsets = [0, 3584], sizes = [128, 128], strides = [1, 1]} : vector<128x8192xf32> to vector<128x128xf32>
    %reduce_max3A_348 = arith.constant dense<0xFF800000> : vector<128xf32>
    %reduce_max3A_349 = vector.multi_reduction <maximumf>, %slice3A_347, %reduce_max3A_348 [1] : vector<128x128xf32> to vector<128xf32>
    %broadcast_in_dim3A_350 = vector.shape_cast %reduce_max3A_349 : vector<128xf32> to vector<128x1xf32>
    %eq3A_351 = vector.broadcast %broadcast_in_dim3A_350 : vector<128x1xf32> to vector<128x128xf32>
    %eq3A_352 = arith.cmpf oeq, %slice3A_347, %eq3A_351 : vector<128x128xf32>
    %convert_element_type3A_353 = arith.extui %eq3A_352 : vector<128x128xi1> to vector<128x128xi32>
    %convert_element_type3A_354 = arith.sitofp %convert_element_type3A_353 : vector<128x128xi32> to vector<128x128xf32>
    %swap3A_355 = arith.constant 0 : index
    %swap3A_356 = arith.constant 3584 : index
    %swap3A_357 = vector.load %arg13[%swap3A_355, %swap3A_356] : memref<128x8192xf32, #tpu.memory_space<vmem>>, vector<128x128xf32>
    tpu.vector_store %arg13[%swap3A_355, %swap3A_356], %convert_element_type3A_354 {strides = array<i32>} : memref<128x8192xf32, #tpu.memory_space<vmem>>, vector<128x128xf32>,
    %slice3A_358 = vector.extract_strided_slice %add3A_44 {offsets = [0, 3712], sizes = [128, 128], strides = [1, 1]} : vector<128x8192xf32> to vector<128x128xf32>
    %reduce_max3A_359 = arith.constant dense<0xFF800000> : vector<128xf32>
    %reduce_max3A_360 = vector.multi_reduction <maximumf>, %slice3A_358, %reduce_max3A_359 [1] : vector<128x128xf32> to vector<128xf32>
    %broadcast_in_dim3A_361 = vector.shape_cast %reduce_max3A_360 : vector<128xf32> to vector<128x1xf32>
    %eq3A_362 = vector.broadcast %broadcast_in_dim3A_361 : vector<128x1xf32> to vector<128x128xf32>
    %eq3A_363 = arith.cmpf oeq, %slice3A_358, %eq3A_362 : vector<128x128xf32>
    %convert_element_type3A_364 = arith.extui %eq3A_363 : vector<128x128xi1> to vector<128x128xi32>
    %convert_element_type3A_365 = arith.sitofp %convert_element_type3A_364 : vector<128x128xi32> to vector<128x128xf32>
    %swap3A_366 = arith.constant 0 : index
    %swap3A_367 = arith.constant 3712 : index
    %swap3A_368 = vector.load %arg13[%swap3A_366, %swap3A_367] : memref<128x8192xf32, #tpu.memory_space<vmem>>, vector<128x128xf32>
    tpu.vector_store %arg13[%swap3A_366, %swap3A_367], %convert_element_type3A_365 {strides = array<i32>} : memref<128x8192xf32, #tpu.memory_space<vmem>>, vector<128x128xf32>,
    %slice3A_369 = vector.extract_strided_slice %add3A_44 {offsets = [0, 3840], sizes = [128, 128], strides = [1, 1]} : vector<128x8192xf32> to vector<128x128xf32>
    %reduce_max3A_370 = arith.constant dense<0xFF800000> : vector<128xf32>
    %reduce_max3A_371 = vector.multi_reduction <maximumf>, %slice3A_369, %reduce_max3A_370 [1] : vector<128x128xf32> to vector<128xf32>
    %broadcast_in_dim3A_372 = vector.shape_cast %reduce_max3A_371 : vector<128xf32> to vector<128x1xf32>
    %eq3A_373 = vector.broadcast %broadcast_in_dim3A_372 : vector<128x1xf32> to vector<128x128xf32>
    %eq3A_374 = arith.cmpf oeq, %slice3A_369, %eq3A_373 : vector<128x128xf32>
    %convert_element_type3A_375 = arith.extui %eq3A_374 : vector<128x128xi1> to vector<128x128xi32>
    %convert_element_type3A_376 = arith.sitofp %convert_element_type3A_375 : vector<128x128xi32> to vector<128x128xf32>
    %swap3A_377 = arith.constant 0 : index
    %swap3A_378 = arith.constant 3840 : index
    %swap3A_379 = vector.load %arg13[%swap3A_377, %swap3A_378] : memref<128x8192xf32, #tpu.memory_space<vmem>>, vector<128x128xf32>
    tpu.vector_store %arg13[%swap3A_377, %swap3A_378], %convert_element_type3A_376 {strides = array<i32>} : memref<128x8192xf32, #tpu.memory_space<vmem>>, vector<128x128xf32>,
    %slice3A_380 = vector.extract_strided_slice %add3A_44 {offsets = [0, 3968], sizes = [128, 128], strides = [1, 1]} : vector<128x8192xf32> to vector<128x128xf32>
    %reduce_max3A_381 = arith.constant dense<0xFF800000> : vector<128xf32>
    %reduce_max3A_382 = vector.multi_reduction <maximumf>, %slice3A_380, %reduce_max3A_381 [1] : vector<128x128xf32> to vector<128xf32>
    %broadcast_in_dim3A_383 = vector.shape_cast %reduce_max3A_382 : vector<128xf32> to vector<128x1xf32>
    %eq3A_384 = vector.broadcast %broadcast_in_dim3A_383 : vector<128x1xf32> to vector<128x128xf32>
    %eq3A_385 = arith.cmpf oeq, %slice3A_380, %eq3A_384 : vector<128x128xf32>
    %convert_element_type3A_386 = arith.extui %eq3A_385 : vector<128x128xi1> to vector<128x128xi32>
    %convert_element_type3A_387 = arith.sitofp %convert_element_type3A_386 : vector<128x128xi32> to vector<128x128xf32>
    %swap3A_388 = arith.constant 0 : index
    %swap3A_389 = arith.constant 3968 : index
    %swap3A_390 = vector.load %arg13[%swap3A_388, %swap3A_389] : memref<128x8192xf32, #tpu.memory_space<vmem>>, vector<128x128xf32>
    tpu.vector_store %arg13[%swap3A_388, %swap3A_389], %convert_element_type3A_387 {strides = array<i32>} : memref<128x8192xf32, #tpu.memory_space<vmem>>, vector<128x128xf32>,
    %slice3A_391 = vector.extract_strided_slice %add3A_44 {offsets = [0, 4096], sizes = [128, 128], strides = [1, 1]} : vector<128x8192xf32> to vector<128x128xf32>
    %reduce_max3A_392 = arith.constant dense<0xFF800000> : vector<128xf32>
    %reduce_max3A_393 = vector.multi_reduction <maximumf>, %slice3A_391, %reduce_max3A_392 [1] : vector<128x128xf32> to vector<128xf32>
    %broadcast_in_dim3A_394 = vector.shape_cast %reduce_max3A_393 : vector<128xf32> to vector<128x1xf32>
    %eq3A_395 = vector.broadcast %broadcast_in_dim3A_394 : vector<128x1xf32> to vector<128x128xf32>
    %eq3A_396 = arith.cmpf oeq, %slice3A_391, %eq3A_395 : vector<128x128xf32>
    %convert_element_type3A_397 = arith.extui %eq3A_396 : vector<128x128xi1> to vector<128x128xi32>
    %convert_element_type3A_398 = arith.sitofp %convert_element_type3A_397 : vector<128x128xi32> to vector<128x128xf32>
    %swap3A_399 = arith.constant 0 : index
    %swap3A_400 = arith.constant 4096 : index
    %swap3A_401 = vector.load %arg13[%swap3A_399, %swap3A_400] : memref<128x8192xf32, #tpu.memory_space<vmem>>, vector<128x128xf32>
    tpu.vector_store %arg13[%swap3A_399, %swap3A_400], %convert_element_type3A_398 {strides = array<i32>} : memref<128x8192xf32, #tpu.memory_space<vmem>>, vector<128x128xf32>,
    %slice3A_402 = vector.extract_strided_slice %add3A_44 {offsets = [0, 4224], sizes = [128, 128], strides = [1, 1]} : vector<128x8192xf32> to vector<128x128xf32>
    %reduce_max3A_403 = arith.constant dense<0xFF800000> : vector<128xf32>
    %reduce_max3A_404 = vector.multi_reduction <maximumf>, %slice3A_402, %reduce_max3A_403 [1] : vector<128x128xf32> to vector<128xf32>
    %broadcast_in_dim3A_405 = vector.shape_cast %reduce_max3A_404 : vector<128xf32> to vector<128x1xf32>
    %eq3A_406 = vector.broadcast %broadcast_in_dim3A_405 : vector<128x1xf32> to vector<128x128xf32>
    %eq3A_407 = arith.cmpf oeq, %slice3A_402, %eq3A_406 : vector<128x128xf32>
    %convert_element_type3A_408 = arith.extui %eq3A_407 : vector<128x128xi1> to vector<128x128xi32>
    %convert_element_type3A_409 = arith.sitofp %convert_element_type3A_408 : vector<128x128xi32> to vector<128x128xf32>
    %swap3A_410 = arith.constant 0 : index
    %swap3A_411 = arith.constant 4224 : index
    %swap3A_412 = vector.load %arg13[%swap3A_410, %swap3A_411] : memref<128x8192xf32, #tpu.memory_space<vmem>>, vector<128x128xf32>
    tpu.vector_store %arg13[%swap3A_410, %swap3A_411], %convert_element_type3A_409 {strides = array<i32>} : memref<128x8192xf32, #tpu.memory_space<vmem>>, vector<128x128xf32>,
    %slice3A_413 = vector.extract_strided_slice %add3A_44 {offsets = [0, 4352], sizes = [128, 128], strides = [1, 1]} : vector<128x8192xf32> to vector<128x128xf32>
    %reduce_max3A_414 = arith.constant dense<0xFF800000> : vector<128xf32>
    %reduce_max3A_415 = vector.multi_reduction <maximumf>, %slice3A_413, %reduce_max3A_414 [1] : vector<128x128xf32> to vector<128xf32>
    %broadcast_in_dim3A_416 = vector.shape_cast %reduce_max3A_415 : vector<128xf32> to vector<128x1xf32>
    %eq3A_417 = vector.broadcast %broadcast_in_dim3A_416 : vector<128x1xf32> to vector<128x128xf32>
    %eq3A_418 = arith.cmpf oeq, %slice3A_413, %eq3A_417 : vector<128x128xf32>
    %convert_element_type3A_419 = arith.extui %eq3A_418 : vector<128x128xi1> to vector<128x128xi32>
    %convert_element_type3A_420 = arith.sitofp %convert_element_type3A_419 : vector<128x128xi32> to vector<128x128xf32>
    %swap3A_421 = arith.constant 0 : index
    %swap3A_422 = arith.constant 4352 : index
    %swap3A_423 = vector.load %arg13[%swap3A_421, %swap3A_422] : memref<128x8192xf32, #tpu.memory_space<vmem>>, vector<128x128xf32>
    tpu.vector_store %arg13[%swap3A_421, %swap3A_422], %convert_element_type3A_420 {strides = array<i32>} : memref<128x8192xf32, #tpu.memory_space<vmem>>, vector<128x128xf32>,
    %slice3A_424 = vector.extract_strided_slice %add3A_44 {offsets = [0, 4480], sizes = [128, 128], strides = [1, 1]} : vector<128x8192xf32> to vector<128x128xf32>
    %reduce_max3A_425 = arith.constant dense<0xFF800000> : vector<128xf32>
    %reduce_max3A_426 = vector.multi_reduction <maximumf>, %slice3A_424, %reduce_max3A_425 [1] : vector<128x128xf32> to vector<128xf32>
    %broadcast_in_dim3A_427 = vector.shape_cast %reduce_max3A_426 : vector<128xf32> to vector<128x1xf32>
    %eq3A_428 = vector.broadcast %broadcast_in_dim3A_427 : vector<128x1xf32> to vector<128x128xf32>
    %eq3A_429 = arith.cmpf oeq, %slice3A_424, %eq3A_428 : vector<128x128xf32>
    %convert_element_type3A_430 = arith.extui %eq3A_429 : vector<128x128xi1> to vector<128x128xi32>
    %convert_element_type3A_431 = arith.sitofp %convert_element_type3A_430 : vector<128x128xi32> to vector<128x128xf32>
    %swap3A_432 = arith.constant 0 : index
    %swap3A_433 = arith.constant 4480 : index
    %swap3A_434 = vector.load %arg13[%swap3A_432, %swap3A_433] : memref<128x8192xf32, #tpu.memory_space<vmem>>, vector<128x128xf32>
    tpu.vector_store %arg13[%swap3A_432, %swap3A_433], %convert_element_type3A_431 {strides = array<i32>} : memref<128x8192xf32, #tpu.memory_space<vmem>>, vector<128x128xf32>,
    %slice3A_435 = vector.extract_strided_slice %add3A_44 {offsets = [0, 4608], sizes = [128, 128], strides = [1, 1]} : vector<128x8192xf32> to vector<128x128xf32>
    %reduce_max3A_436 = arith.constant dense<0xFF800000> : vector<128xf32>
    %reduce_max3A_437 = vector.multi_reduction <maximumf>, %slice3A_435, %reduce_max3A_436 [1] : vector<128x128xf32> to vector<128xf32>
    %broadcast_in_dim3A_438 = vector.shape_cast %reduce_max3A_437 : vector<128xf32> to vector<128x1xf32>
    %eq3A_439 = vector.broadcast %broadcast_in_dim3A_438 : vector<128x1xf32> to vector<128x128xf32>
    %eq3A_440 = arith.cmpf oeq, %slice3A_435, %eq3A_439 : vector<128x128xf32>
    %convert_element_type3A_441 = arith.extui %eq3A_440 : vector<128x128xi1> to vector<128x128xi32>
    %convert_element_type3A_442 = arith.sitofp %convert_element_type3A_441 : vector<128x128xi32> to vector<128x128xf32>
    %swap3A_443 = arith.constant 0 : index
    %swap3A_444 = arith.constant 4608 : index
    %swap3A_445 = vector.load %arg13[%swap3A_443, %swap3A_444] : memref<128x8192xf32, #tpu.memory_space<vmem>>, vector<128x128xf32>
    tpu.vector_store %arg13[%swap3A_443, %swap3A_444], %convert_element_type3A_442 {strides = array<i32>} : memref<128x8192xf32, #tpu.memory_space<vmem>>, vector<128x128xf32>,
    %slice3A_446 = vector.extract_strided_slice %add3A_44 {offsets = [0, 4736], sizes = [128, 128], strides = [1, 1]} : vector<128x8192xf32> to vector<128x128xf32>
    %reduce_max3A_447 = arith.constant dense<0xFF800000> : vector<128xf32>
    %reduce_max3A_448 = vector.multi_reduction <maximumf>, %slice3A_446, %reduce_max3A_447 [1] : vector<128x128xf32> to vector<128xf32>
    %broadcast_in_dim3A_449 = vector.shape_cast %reduce_max3A_448 : vector<128xf32> to vector<128x1xf32>
    %eq3A_450 = vector.broadcast %broadcast_in_dim3A_449 : vector<128x1xf32> to vector<128x128xf32>
    %eq3A_451 = arith.cmpf oeq, %slice3A_446, %eq3A_450 : vector<128x128xf32>
    %convert_element_type3A_452 = arith.extui %eq3A_451 : vector<128x128xi1> to vector<128x128xi32>
    %convert_element_type3A_453 = arith.sitofp %convert_element_type3A_452 : vector<128x128xi32> to vector<128x128xf32>
    %swap3A_454 = arith.constant 0 : index
    %swap3A_455 = arith.constant 4736 : index
    %swap3A_456 = vector.load %arg13[%swap3A_454, %swap3A_455] : memref<128x8192xf32, #tpu.memory_space<vmem>>, vector<128x128xf32>
    tpu.vector_store %arg13[%swap3A_454, %swap3A_455], %convert_element_type3A_453 {strides = array<i32>} : memref<128x8192xf32, #tpu.memory_space<vmem>>, vector<128x128xf32>,
    %slice3A_457 = vector.extract_strided_slice %add3A_44 {offsets = [0, 4864], sizes = [128, 128], strides = [1, 1]} : vector<128x8192xf32> to vector<128x128xf32>
    %reduce_max3A_458 = arith.constant dense<0xFF800000> : vector<128xf32>
    %reduce_max3A_459 = vector.multi_reduction <maximumf>, %slice3A_457, %reduce_max3A_458 [1] : vector<128x128xf32> to vector<128xf32>
    %broadcast_in_dim3A_460 = vector.shape_cast %reduce_max3A_459 : vector<128xf32> to vector<128x1xf32>
    %eq3A_461 = vector.broadcast %broadcast_in_dim3A_460 : vector<128x1xf32> to vector<128x128xf32>
    %eq3A_462 = arith.cmpf oeq, %slice3A_457, %eq3A_461 : vector<128x128xf32>
    %convert_element_type3A_463 = arith.extui %eq3A_462 : vector<128x128xi1> to vector<128x128xi32>
    %convert_element_type3A_464 = arith.sitofp %convert_element_type3A_463 : vector<128x128xi32> to vector<128x128xf32>
    %swap3A_465 = arith.constant 0 : index
    %swap3A_466 = arith.constant 4864 : index
    %swap3A_467 = vector.load %arg13[%swap3A_465, %swap3A_466] : memref<128x8192xf32, #tpu.memory_space<vmem>>, vector<128x128xf32>
    tpu.vector_store %arg13[%swap3A_465, %swap3A_466], %convert_element_type3A_464 {strides = array<i32>} : memref<128x8192xf32, #tpu.memory_space<vmem>>, vector<128x128xf32>,
    %slice3A_468 = vector.extract_strided_slice %add3A_44 {offsets = [0, 4992], sizes = [128, 128], strides = [1, 1]} : vector<128x8192xf32> to vector<128x128xf32>
    %reduce_max3A_469 = arith.constant dense<0xFF800000> : vector<128xf32>
    %reduce_max3A_470 = vector.multi_reduction <maximumf>, %slice3A_468, %reduce_max3A_469 [1] : vector<128x128xf32> to vector<128xf32>
    %broadcast_in_dim3A_471 = vector.shape_cast %reduce_max3A_470 : vector<128xf32> to vector<128x1xf32>
    %eq3A_472 = vector.broadcast %broadcast_in_dim3A_471 : vector<128x1xf32> to vector<128x128xf32>
    %eq3A_473 = arith.cmpf oeq, %slice3A_468, %eq3A_472 : vector<128x128xf32>
    %convert_element_type3A_474 = arith.extui %eq3A_473 : vector<128x128xi1> to vector<128x128xi32>
    %convert_element_type3A_475 = arith.sitofp %convert_element_type3A_474 : vector<128x128xi32> to vector<128x128xf32>
    %swap3A_476 = arith.constant 0 : index
    %swap3A_477 = arith.constant 4992 : index
    %swap3A_478 = vector.load %arg13[%swap3A_476, %swap3A_477] : memref<128x8192xf32, #tpu.memory_space<vmem>>, vector<128x128xf32>
    tpu.vector_store %arg13[%swap3A_476, %swap3A_477], %convert_element_type3A_475 {strides = array<i32>} : memref<128x8192xf32, #tpu.memory_space<vmem>>, vector<128x128xf32>,
    %slice3A_479 = vector.extract_strided_slice %add3A_44 {offsets = [0, 5120], sizes = [128, 128], strides = [1, 1]} : vector<128x8192xf32> to vector<128x128xf32>
    %reduce_max3A_480 = arith.constant dense<0xFF800000> : vector<128xf32>
    %reduce_max3A_481 = vector.multi_reduction <maximumf>, %slice3A_479, %reduce_max3A_480 [1] : vector<128x128xf32> to vector<128xf32>
    %broadcast_in_dim3A_482 = vector.shape_cast %reduce_max3A_481 : vector<128xf32> to vector<128x1xf32>
    %eq3A_483 = vector.broadcast %broadcast_in_dim3A_482 : vector<128x1xf32> to vector<128x128xf32>
    %eq3A_484 = arith.cmpf oeq, %slice3A_479, %eq3A_483 : vector<128x128xf32>
    %convert_element_type3A_485 = arith.extui %eq3A_484 : vector<128x128xi1> to vector<128x128xi32>
    %convert_element_type3A_486 = arith.sitofp %convert_element_type3A_485 : vector<128x128xi32> to vector<128x128xf32>
    %swap3A_487 = arith.constant 0 : index
    %swap3A_488 = arith.constant 5120 : index
    %swap3A_489 = vector.load %arg13[%swap3A_487, %swap3A_488] : memref<128x8192xf32, #tpu.memory_space<vmem>>, vector<128x128xf32>
    tpu.vector_store %arg13[%swap3A_487, %swap3A_488], %convert_element_type3A_486 {strides = array<i32>} : memref<128x8192xf32, #tpu.memory_space<vmem>>, vector<128x128xf32>,
    %slice3A_490 = vector.extract_strided_slice %add3A_44 {offsets = [0, 5248], sizes = [128, 128], strides = [1, 1]} : vector<128x8192xf32> to vector<128x128xf32>
    %reduce_max3A_491 = arith.constant dense<0xFF800000> : vector<128xf32>
    %reduce_max3A_492 = vector.multi_reduction <maximumf>, %slice3A_490, %reduce_max3A_491 [1] : vector<128x128xf32> to vector<128xf32>
    %broadcast_in_dim3A_493 = vector.shape_cast %reduce_max3A_492 : vector<128xf32> to vector<128x1xf32>
    %eq3A_494 = vector.broadcast %broadcast_in_dim3A_493 : vector<128x1xf32> to vector<128x128xf32>
    %eq3A_495 = arith.cmpf oeq, %slice3A_490, %eq3A_494 : vector<128x128xf32>
    %convert_element_type3A_496 = arith.extui %eq3A_495 : vector<128x128xi1> to vector<128x128xi32>
    %convert_element_type3A_497 = arith.sitofp %convert_element_type3A_496 : vector<128x128xi32> to vector<128x128xf32>
    %swap3A_498 = arith.constant 0 : index
    %swap3A_499 = arith.constant 5248 : index
    %swap3A_500 = vector.load %arg13[%swap3A_498, %swap3A_499] : memref<128x8192xf32, #tpu.memory_space<vmem>>, vector<128x128xf32>
    tpu.vector_store %arg13[%swap3A_498, %swap3A_499], %convert_element_type3A_497 {strides = array<i32>} : memref<128x8192xf32, #tpu.memory_space<vmem>>, vector<128x128xf32>,
    %slice3A_501 = vector.extract_strided_slice %add3A_44 {offsets = [0, 5376], sizes = [128, 128], strides = [1, 1]} : vector<128x8192xf32> to vector<128x128xf32>
    %reduce_max3A_502 = arith.constant dense<0xFF800000> : vector<128xf32>
    %reduce_max3A_503 = vector.multi_reduction <maximumf>, %slice3A_501, %reduce_max3A_502 [1] : vector<128x128xf32> to vector<128xf32>
    %broadcast_in_dim3A_504 = vector.shape_cast %reduce_max3A_503 : vector<128xf32> to vector<128x1xf32>
    %eq3A_505 = vector.broadcast %broadcast_in_dim3A_504 : vector<128x1xf32> to vector<128x128xf32>
    %eq3A_506 = arith.cmpf oeq, %slice3A_501, %eq3A_505 : vector<128x128xf32>
    %convert_element_type3A_507 = arith.extui %eq3A_506 : vector<128x128xi1> to vector<128x128xi32>
    %convert_element_type3A_508 = arith.sitofp %convert_element_type3A_507 : vector<128x128xi32> to vector<128x128xf32>
    %swap3A_509 = arith.constant 0 : index
    %swap3A_510 = arith.constant 5376 : index
    %swap3A_511 = vector.load %arg13[%swap3A_509, %swap3A_510] : memref<128x8192xf32, #tpu.memory_space<vmem>>, vector<128x128xf32>
    tpu.vector_store %arg13[%swap3A_509, %swap3A_510], %convert_element_type3A_508 {strides = array<i32>} : memref<128x8192xf32, #tpu.memory_space<vmem>>, vector<128x128xf32>,
    %slice3A_512 = vector.extract_strided_slice %add3A_44 {offsets = [0, 5504], sizes = [128, 128], strides = [1, 1]} : vector<128x8192xf32> to vector<128x128xf32>
    %reduce_max3A_513 = arith.constant dense<0xFF800000> : vector<128xf32>
    %reduce_max3A_514 = vector.multi_reduction <maximumf>, %slice3A_512, %reduce_max3A_513 [1] : vector<128x128xf32> to vector<128xf32>
    %broadcast_in_dim3A_515 = vector.shape_cast %reduce_max3A_514 : vector<128xf32> to vector<128x1xf32>
    %eq3A_516 = vector.broadcast %broadcast_in_dim3A_515 : vector<128x1xf32> to vector<128x128xf32>
    %eq3A_517 = arith.cmpf oeq, %slice3A_512, %eq3A_516 : vector<128x128xf32>
    %convert_element_type3A_518 = arith.extui %eq3A_517 : vector<128x128xi1> to vector<128x128xi32>
    %convert_element_type3A_519 = arith.sitofp %convert_element_type3A_518 : vector<128x128xi32> to vector<128x128xf32>
    %swap3A_520 = arith.constant 0 : index
    %swap3A_521 = arith.constant 5504 : index
    %swap3A_522 = vector.load %arg13[%swap3A_520, %swap3A_521] : memref<128x8192xf32, #tpu.memory_space<vmem>>, vector<128x128xf32>
    tpu.vector_store %arg13[%swap3A_520, %swap3A_521], %convert_element_type3A_519 {strides = array<i32>} : memref<128x8192xf32, #tpu.memory_space<vmem>>, vector<128x128xf32>,
    %slice3A_523 = vector.extract_strided_slice %add3A_44 {offsets = [0, 5632], sizes = [128, 128], strides = [1, 1]} : vector<128x8192xf32> to vector<128x128xf32>
    %reduce_max3A_524 = arith.constant dense<0xFF800000> : vector<128xf32>
    %reduce_max3A_525 = vector.multi_reduction <maximumf>, %slice3A_523, %reduce_max3A_524 [1] : vector<128x128xf32> to vector<128xf32>
    %broadcast_in_dim3A_526 = vector.shape_cast %reduce_max3A_525 : vector<128xf32> to vector<128x1xf32>
    %eq3A_527 = vector.broadcast %broadcast_in_dim3A_526 : vector<128x1xf32> to vector<128x128xf32>
    %eq3A_528 = arith.cmpf oeq, %slice3A_523, %eq3A_527 : vector<128x128xf32>
    %convert_element_type3A_529 = arith.extui %eq3A_528 : vector<128x128xi1> to vector<128x128xi32>
    %convert_element_type3A_530 = arith.sitofp %convert_element_type3A_529 : vector<128x128xi32> to vector<128x128xf32>
    %swap3A_531 = arith.constant 0 : index
    %swap3A_532 = arith.constant 5632 : index
    %swap3A_533 = vector.load %arg13[%swap3A_531, %swap3A_532] : memref<128x8192xf32, #tpu.memory_space<vmem>>, vector<128x128xf32>
    tpu.vector_store %arg13[%swap3A_531, %swap3A_532], %convert_element_type3A_530 {strides = array<i32>} : memref<128x8192xf32, #tpu.memory_space<vmem>>, vector<128x128xf32>,
    %slice3A_534 = vector.extract_strided_slice %add3A_44 {offsets = [0, 5760], sizes = [128, 128], strides = [1, 1]} : vector<128x8192xf32> to vector<128x128xf32>
    %reduce_max3A_535 = arith.constant dense<0xFF800000> : vector<128xf32>
    %reduce_max3A_536 = vector.multi_reduction <maximumf>, %slice3A_534, %reduce_max3A_535 [1] : vector<128x128xf32> to vector<128xf32>
    %broadcast_in_dim3A_537 = vector.shape_cast %reduce_max3A_536 : vector<128xf32> to vector<128x1xf32>
    %eq3A_538 = vector.broadcast %broadcast_in_dim3A_537 : vector<128x1xf32> to vector<128x128xf32>
    %eq3A_539 = arith.cmpf oeq, %slice3A_534, %eq3A_538 : vector<128x128xf32>
    %convert_element_type3A_540 = arith.extui %eq3A_539 : vector<128x128xi1> to vector<128x128xi32>
    %convert_element_type3A_541 = arith.sitofp %convert_element_type3A_540 : vector<128x128xi32> to vector<128x128xf32>
    %swap3A_542 = arith.constant 0 : index
    %swap3A_543 = arith.constant 5760 : index
    %swap3A_544 = vector.load %arg13[%swap3A_542, %swap3A_543] : memref<128x8192xf32, #tpu.memory_space<vmem>>, vector<128x128xf32>
    tpu.vector_store %arg13[%swap3A_542, %swap3A_543], %convert_element_type3A_541 {strides = array<i32>} : memref<128x8192xf32, #tpu.memory_space<vmem>>, vector<128x128xf32>,
    %slice3A_545 = vector.extract_strided_slice %add3A_44 {offsets = [0, 5888], sizes = [128, 128], strides = [1, 1]} : vector<128x8192xf32> to vector<128x128xf32>
    %reduce_max3A_546 = arith.constant dense<0xFF800000> : vector<128xf32>
    %reduce_max3A_547 = vector.multi_reduction <maximumf>, %slice3A_545, %reduce_max3A_546 [1] : vector<128x128xf32> to vector<128xf32>
    %broadcast_in_dim3A_548 = vector.shape_cast %reduce_max3A_547 : vector<128xf32> to vector<128x1xf32>
    %eq3A_549 = vector.broadcast %broadcast_in_dim3A_548 : vector<128x1xf32> to vector<128x128xf32>
    %eq3A_550 = arith.cmpf oeq, %slice3A_545, %eq3A_549 : vector<128x128xf32>
    %convert_element_type3A_551 = arith.extui %eq3A_550 : vector<128x128xi1> to vector<128x128xi32>
    %convert_element_type3A_552 = arith.sitofp %convert_element_type3A_551 : vector<128x128xi32> to vector<128x128xf32>
    %swap3A_553 = arith.constant 0 : index
    %swap3A_554 = arith.constant 5888 : index
    %swap3A_555 = vector.load %arg13[%swap3A_553, %swap3A_554] : memref<128x8192xf32, #tpu.memory_space<vmem>>, vector<128x128xf32>
    tpu.vector_store %arg13[%swap3A_553, %swap3A_554], %convert_element_type3A_552 {strides = array<i32>} : memref<128x8192xf32, #tpu.memory_space<vmem>>, vector<128x128xf32>,
    %slice3A_556 = vector.extract_strided_slice %add3A_44 {offsets = [0, 6016], sizes = [128, 128], strides = [1, 1]} : vector<128x8192xf32> to vector<128x128xf32>
    %reduce_max3A_557 = arith.constant dense<0xFF800000> : vector<128xf32>
    %reduce_max3A_558 = vector.multi_reduction <maximumf>, %slice3A_556, %reduce_max3A_557 [1] : vector<128x128xf32> to vector<128xf32>
    %broadcast_in_dim3A_559 = vector.shape_cast %reduce_max3A_558 : vector<128xf32> to vector<128x1xf32>
    %eq3A_560 = vector.broadcast %broadcast_in_dim3A_559 : vector<128x1xf32> to vector<128x128xf32>
    %eq3A_561 = arith.cmpf oeq, %slice3A_556, %eq3A_560 : vector<128x128xf32>
    %convert_element_type3A_562 = arith.extui %eq3A_561 : vector<128x128xi1> to vector<128x128xi32>
    %convert_element_type3A_563 = arith.sitofp %convert_element_type3A_562 : vector<128x128xi32> to vector<128x128xf32>
    %swap3A_564 = arith.constant 0 : index
    %swap3A_565 = arith.constant 6016 : index
    %swap3A_566 = vector.load %arg13[%swap3A_564, %swap3A_565] : memref<128x8192xf32, #tpu.memory_space<vmem>>, vector<128x128xf32>
    tpu.vector_store %arg13[%swap3A_564, %swap3A_565], %convert_element_type3A_563 {strides = array<i32>} : memref<128x8192xf32, #tpu.memory_space<vmem>>, vector<128x128xf32>,
    %slice3A_567 = vector.extract_strided_slice %add3A_44 {offsets = [0, 6144], sizes = [128, 128], strides = [1, 1]} : vector<128x8192xf32> to vector<128x128xf32>
    %reduce_max3A_568 = arith.constant dense<0xFF800000> : vector<128xf32>
    %reduce_max3A_569 = vector.multi_reduction <maximumf>, %slice3A_567, %reduce_max3A_568 [1] : vector<128x128xf32> to vector<128xf32>
    %broadcast_in_dim3A_570 = vector.shape_cast %reduce_max3A_569 : vector<128xf32> to vector<128x1xf32>
    %eq3A_571 = vector.broadcast %broadcast_in_dim3A_570 : vector<128x1xf32> to vector<128x128xf32>
    %eq3A_572 = arith.cmpf oeq, %slice3A_567, %eq3A_571 : vector<128x128xf32>
    %convert_element_type3A_573 = arith.extui %eq3A_572 : vector<128x128xi1> to vector<128x128xi32>
    %convert_element_type3A_574 = arith.sitofp %convert_element_type3A_573 : vector<128x128xi32> to vector<128x128xf32>
    %swap3A_575 = arith.constant 0 : index
    %swap3A_576 = arith.constant 6144 : index
    %swap3A_577 = vector.load %arg13[%swap3A_575, %swap3A_576] : memref<128x8192xf32, #tpu.memory_space<vmem>>, vector<128x128xf32>
    tpu.vector_store %arg13[%swap3A_575, %swap3A_576], %convert_element_type3A_574 {strides = array<i32>} : memref<128x8192xf32, #tpu.memory_space<vmem>>, vector<128x128xf32>,
    %slice3A_578 = vector.extract_strided_slice %add3A_44 {offsets = [0, 6272], sizes = [128, 128], strides = [1, 1]} : vector<128x8192xf32> to vector<128x128xf32>
    %reduce_max3A_579 = arith.constant dense<0xFF800000> : vector<128xf32>
    %reduce_max3A_580 = vector.multi_reduction <maximumf>, %slice3A_578, %reduce_max3A_579 [1] : vector<128x128xf32> to vector<128xf32>
    %broadcast_in_dim3A_581 = vector.shape_cast %reduce_max3A_580 : vector<128xf32> to vector<128x1xf32>
    %eq3A_582 = vector.broadcast %broadcast_in_dim3A_581 : vector<128x1xf32> to vector<128x128xf32>
    %eq3A_583 = arith.cmpf oeq, %slice3A_578, %eq3A_582 : vector<128x128xf32>
    %convert_element_type3A_584 = arith.extui %eq3A_583 : vector<128x128xi1> to vector<128x128xi32>
    %convert_element_type3A_585 = arith.sitofp %convert_element_type3A_584 : vector<128x128xi32> to vector<128x128xf32>
    %swap3A_586 = arith.constant 0 : index
    %swap3A_587 = arith.constant 6272 : index
    %swap3A_588 = vector.load %arg13[%swap3A_586, %swap3A_587] : memref<128x8192xf32, #tpu.memory_space<vmem>>, vector<128x128xf32>
    tpu.vector_store %arg13[%swap3A_586, %swap3A_587], %convert_element_type3A_585 {strides = array<i32>} : memref<128x8192xf32, #tpu.memory_space<vmem>>, vector<128x128xf32>,
    %slice3A_589 = vector.extract_strided_slice %add3A_44 {offsets = [0, 6400], sizes = [128, 128], strides = [1, 1]} : vector<128x8192xf32> to vector<128x128xf32>
    %reduce_max3A_590 = arith.constant dense<0xFF800000> : vector<128xf32>
    %reduce_max3A_591 = vector.multi_reduction <maximumf>, %slice3A_589, %reduce_max3A_590 [1] : vector<128x128xf32> to vector<128xf32>
    %broadcast_in_dim3A_592 = vector.shape_cast %reduce_max3A_591 : vector<128xf32> to vector<128x1xf32>
    %eq3A_593 = vector.broadcast %broadcast_in_dim3A_592 : vector<128x1xf32> to vector<128x128xf32>
    %eq3A_594 = arith.cmpf oeq, %slice3A_589, %eq3A_593 : vector<128x128xf32>
    %convert_element_type3A_595 = arith.extui %eq3A_594 : vector<128x128xi1> to vector<128x128xi32>
    %convert_element_type3A_596 = arith.sitofp %convert_element_type3A_595 : vector<128x128xi32> to vector<128x128xf32>
    %swap3A_597 = arith.constant 0 : index
    %swap3A_598 = arith.constant 6400 : index
    %swap3A_599 = vector.load %arg13[%swap3A_597, %swap3A_598] : memref<128x8192xf32, #tpu.memory_space<vmem>>, vector<128x128xf32>
    tpu.vector_store %arg13[%swap3A_597, %swap3A_598], %convert_element_type3A_596 {strides = array<i32>} : memref<128x8192xf32, #tpu.memory_space<vmem>>, vector<128x128xf32>,
    %slice3A_600 = vector.extract_strided_slice %add3A_44 {offsets = [0, 6528], sizes = [128, 128], strides = [1, 1]} : vector<128x8192xf32> to vector<128x128xf32>
    %reduce_max3A_601 = arith.constant dense<0xFF800000> : vector<128xf32>
    %reduce_max3A_602 = vector.multi_reduction <maximumf>, %slice3A_600, %reduce_max3A_601 [1] : vector<128x128xf32> to vector<128xf32>
    %broadcast_in_dim3A_603 = vector.shape_cast %reduce_max3A_602 : vector<128xf32> to vector<128x1xf32>
    %eq3A_604 = vector.broadcast %broadcast_in_dim3A_603 : vector<128x1xf32> to vector<128x128xf32>
    %eq3A_605 = arith.cmpf oeq, %slice3A_600, %eq3A_604 : vector<128x128xf32>
    %convert_element_type3A_606 = arith.extui %eq3A_605 : vector<128x128xi1> to vector<128x128xi32>
    %convert_element_type3A_607 = arith.sitofp %convert_element_type3A_606 : vector<128x128xi32> to vector<128x128xf32>
    %swap3A_608 = arith.constant 0 : index
    %swap3A_609 = arith.constant 6528 : index
    %swap3A_610 = vector.load %arg13[%swap3A_608, %swap3A_609] : memref<128x8192xf32, #tpu.memory_space<vmem>>, vector<128x128xf32>
    tpu.vector_store %arg13[%swap3A_608, %swap3A_609], %convert_element_type3A_607 {strides = array<i32>} : memref<128x8192xf32, #tpu.memory_space<vmem>>, vector<128x128xf32>,
    %slice3A_611 = vector.extract_strided_slice %add3A_44 {offsets = [0, 6656], sizes = [128, 128], strides = [1, 1]} : vector<128x8192xf32> to vector<128x128xf32>
    %reduce_max3A_612 = arith.constant dense<0xFF800000> : vector<128xf32>
    %reduce_max3A_613 = vector.multi_reduction <maximumf>, %slice3A_611, %reduce_max3A_612 [1] : vector<128x128xf32> to vector<128xf32>
    %broadcast_in_dim3A_614 = vector.shape_cast %reduce_max3A_613 : vector<128xf32> to vector<128x1xf32>
    %eq3A_615 = vector.broadcast %broadcast_in_dim3A_614 : vector<128x1xf32> to vector<128x128xf32>
    %eq3A_616 = arith.cmpf oeq, %slice3A_611, %eq3A_615 : vector<128x128xf32>
    %convert_element_type3A_617 = arith.extui %eq3A_616 : vector<128x128xi1> to vector<128x128xi32>
    %convert_element_type3A_618 = arith.sitofp %convert_element_type3A_617 : vector<128x128xi32> to vector<128x128xf32>
    %swap3A_619 = arith.constant 0 : index
    %swap3A_620 = arith.constant 6656 : index
    %swap3A_621 = vector.load %arg13[%swap3A_619, %swap3A_620] : memref<128x8192xf32, #tpu.memory_space<vmem>>, vector<128x128xf32>
    tpu.vector_store %arg13[%swap3A_619, %swap3A_620], %convert_element_type3A_618 {strides = array<i32>} : memref<128x8192xf32, #tpu.memory_space<vmem>>, vector<128x128xf32>,
    %slice3A_622 = vector.extract_strided_slice %add3A_44 {offsets = [0, 6784], sizes = [128, 128], strides = [1, 1]} : vector<128x8192xf32> to vector<128x128xf32>
    %reduce_max3A_623 = arith.constant dense<0xFF800000> : vector<128xf32>
    %reduce_max3A_624 = vector.multi_reduction <maximumf>, %slice3A_622, %reduce_max3A_623 [1] : vector<128x128xf32> to vector<128xf32>
    %broadcast_in_dim3A_625 = vector.shape_cast %reduce_max3A_624 : vector<128xf32> to vector<128x1xf32>
    %eq3A_626 = vector.broadcast %broadcast_in_dim3A_625 : vector<128x1xf32> to vector<128x128xf32>
    %eq3A_627 = arith.cmpf oeq, %slice3A_622, %eq3A_626 : vector<128x128xf32>
    %convert_element_type3A_628 = arith.extui %eq3A_627 : vector<128x128xi1> to vector<128x128xi32>
    %convert_element_type3A_629 = arith.sitofp %convert_element_type3A_628 : vector<128x128xi32> to vector<128x128xf32>
    %swap3A_630 = arith.constant 0 : index
    %swap3A_631 = arith.constant 6784 : index
    %swap3A_632 = vector.load %arg13[%swap3A_630, %swap3A_631] : memref<128x8192xf32, #tpu.memory_space<vmem>>, vector<128x128xf32>
    tpu.vector_store %arg13[%swap3A_630, %swap3A_631], %convert_element_type3A_629 {strides = array<i32>} : memref<128x8192xf32, #tpu.memory_space<vmem>>, vector<128x128xf32>,
    %slice3A_633 = vector.extract_strided_slice %add3A_44 {offsets = [0, 6912], sizes = [128, 128], strides = [1, 1]} : vector<128x8192xf32> to vector<128x128xf32>
    %reduce_max3A_634 = arith.constant dense<0xFF800000> : vector<128xf32>
    %reduce_max3A_635 = vector.multi_reduction <maximumf>, %slice3A_633, %reduce_max3A_634 [1] : vector<128x128xf32> to vector<128xf32>
    %broadcast_in_dim3A_636 = vector.shape_cast %reduce_max3A_635 : vector<128xf32> to vector<128x1xf32>
    %eq3A_637 = vector.broadcast %broadcast_in_dim3A_636 : vector<128x1xf32> to vector<128x128xf32>
    %eq3A_638 = arith.cmpf oeq, %slice3A_633, %eq3A_637 : vector<128x128xf32>
    %convert_element_type3A_639 = arith.extui %eq3A_638 : vector<128x128xi1> to vector<128x128xi32>
    %convert_element_type3A_640 = arith.sitofp %convert_element_type3A_639 : vector<128x128xi32> to vector<128x128xf32>
    %swap3A_641 = arith.constant 0 : index
    %swap3A_642 = arith.constant 6912 : index
    %swap3A_643 = vector.load %arg13[%swap3A_641, %swap3A_642] : memref<128x8192xf32, #tpu.memory_space<vmem>>, vector<128x128xf32>
    tpu.vector_store %arg13[%swap3A_641, %swap3A_642], %convert_element_type3A_640 {strides = array<i32>} : memref<128x8192xf32, #tpu.memory_space<vmem>>, vector<128x128xf32>,
    %slice3A_644 = vector.extract_strided_slice %add3A_44 {offsets = [0, 7040], sizes = [128, 128], strides = [1, 1]} : vector<128x8192xf32> to vector<128x128xf32>
    %reduce_max3A_645 = arith.constant dense<0xFF800000> : vector<128xf32>
    %reduce_max3A_646 = vector.multi_reduction <maximumf>, %slice3A_644, %reduce_max3A_645 [1] : vector<128x128xf32> to vector<128xf32>
    %broadcast_in_dim3A_647 = vector.shape_cast %reduce_max3A_646 : vector<128xf32> to vector<128x1xf32>
    %eq3A_648 = vector.broadcast %broadcast_in_dim3A_647 : vector<128x1xf32> to vector<128x128xf32>
    %eq3A_649 = arith.cmpf oeq, %slice3A_644, %eq3A_648 : vector<128x128xf32>
    %convert_element_type3A_650 = arith.extui %eq3A_649 : vector<128x128xi1> to vector<128x128xi32>
    %convert_element_type3A_651 = arith.sitofp %convert_element_type3A_650 : vector<128x128xi32> to vector<128x128xf32>
    %swap3A_652 = arith.constant 0 : index
    %swap3A_653 = arith.constant 7040 : index
    %swap3A_654 = vector.load %arg13[%swap3A_652, %swap3A_653] : memref<128x8192xf32, #tpu.memory_space<vmem>>, vector<128x128xf32>
    tpu.vector_store %arg13[%swap3A_652, %swap3A_653], %convert_element_type3A_651 {strides = array<i32>} : memref<128x8192xf32, #tpu.memory_space<vmem>>, vector<128x128xf32>,
    %slice3A_655 = vector.extract_strided_slice %add3A_44 {offsets = [0, 7168], sizes = [128, 128], strides = [1, 1]} : vector<128x8192xf32> to vector<128x128xf32>
    %reduce_max3A_656 = arith.constant dense<0xFF800000> : vector<128xf32>
    %reduce_max3A_657 = vector.multi_reduction <maximumf>, %slice3A_655, %reduce_max3A_656 [1] : vector<128x128xf32> to vector<128xf32>
    %broadcast_in_dim3A_658 = vector.shape_cast %reduce_max3A_657 : vector<128xf32> to vector<128x1xf32>
    %eq3A_659 = vector.broadcast %broadcast_in_dim3A_658 : vector<128x1xf32> to vector<128x128xf32>
    %eq3A_660 = arith.cmpf oeq, %slice3A_655, %eq3A_659 : vector<128x128xf32>
    %convert_element_type3A_661 = arith.extui %eq3A_660 : vector<128x128xi1> to vector<128x128xi32>
    %convert_element_type3A_662 = arith.sitofp %convert_element_type3A_661 : vector<128x128xi32> to vector<128x128xf32>
    %swap3A_663 = arith.constant 0 : index
    %swap3A_664 = arith.constant 7168 : index
    %swap3A_665 = vector.load %arg13[%swap3A_663, %swap3A_664] : memref<128x8192xf32, #tpu.memory_space<vmem>>, vector<128x128xf32>
    tpu.vector_store %arg13[%swap3A_663, %swap3A_664], %convert_element_type3A_662 {strides = array<i32>} : memref<128x8192xf32, #tpu.memory_space<vmem>>, vector<128x128xf32>,
    %slice3A_666 = vector.extract_strided_slice %add3A_44 {offsets = [0, 7296], sizes = [128, 128], strides = [1, 1]} : vector<128x8192xf32> to vector<128x128xf32>
    %reduce_max3A_667 = arith.constant dense<0xFF800000> : vector<128xf32>
    %reduce_max3A_668 = vector.multi_reduction <maximumf>, %slice3A_666, %reduce_max3A_667 [1] : vector<128x128xf32> to vector<128xf32>
    %broadcast_in_dim3A_669 = vector.shape_cast %reduce_max3A_668 : vector<128xf32> to vector<128x1xf32>
    %eq3A_670 = vector.broadcast %broadcast_in_dim3A_669 : vector<128x1xf32> to vector<128x128xf32>
    %eq3A_671 = arith.cmpf oeq, %slice3A_666, %eq3A_670 : vector<128x128xf32>
    %convert_element_type3A_672 = arith.extui %eq3A_671 : vector<128x128xi1> to vector<128x128xi32>
    %convert_element_type3A_673 = arith.sitofp %convert_element_type3A_672 : vector<128x128xi32> to vector<128x128xf32>
    %swap3A_674 = arith.constant 0 : index
    %swap3A_675 = arith.constant 7296 : index
    %swap3A_676 = vector.load %arg13[%swap3A_674, %swap3A_675] : memref<128x8192xf32, #tpu.memory_space<vmem>>, vector<128x128xf32>
    tpu.vector_store %arg13[%swap3A_674, %swap3A_675], %convert_element_type3A_673 {strides = array<i32>} : memref<128x8192xf32, #tpu.memory_space<vmem>>, vector<128x128xf32>,
    %slice3A_677 = vector.extract_strided_slice %add3A_44 {offsets = [0, 7424], sizes = [128, 128], strides = [1, 1]} : vector<128x8192xf32> to vector<128x128xf32>
    %reduce_max3A_678 = arith.constant dense<0xFF800000> : vector<128xf32>
    %reduce_max3A_679 = vector.multi_reduction <maximumf>, %slice3A_677, %reduce_max3A_678 [1] : vector<128x128xf32> to vector<128xf32>
    %broadcast_in_dim3A_680 = vector.shape_cast %reduce_max3A_679 : vector<128xf32> to vector<128x1xf32>
    %eq3A_681 = vector.broadcast %broadcast_in_dim3A_680 : vector<128x1xf32> to vector<128x128xf32>
    %eq3A_682 = arith.cmpf oeq, %slice3A_677, %eq3A_681 : vector<128x128xf32>
    %convert_element_type3A_683 = arith.extui %eq3A_682 : vector<128x128xi1> to vector<128x128xi32>
    %convert_element_type3A_684 = arith.sitofp %convert_element_type3A_683 : vector<128x128xi32> to vector<128x128xf32>
    %swap3A_685 = arith.constant 0 : index
    %swap3A_686 = arith.constant 7424 : index
    %swap3A_687 = vector.load %arg13[%swap3A_685, %swap3A_686] : memref<128x8192xf32, #tpu.memory_space<vmem>>, vector<128x128xf32>
    tpu.vector_store %arg13[%swap3A_685, %swap3A_686], %convert_element_type3A_684 {strides = array<i32>} : memref<128x8192xf32, #tpu.memory_space<vmem>>, vector<128x128xf32>,
    %slice3A_688 = vector.extract_strided_slice %add3A_44 {offsets = [0, 7552], sizes = [128, 128], strides = [1, 1]} : vector<128x8192xf32> to vector<128x128xf32>
    %reduce_max3A_689 = arith.constant dense<0xFF800000> : vector<128xf32>
    %reduce_max3A_690 = vector.multi_reduction <maximumf>, %slice3A_688, %reduce_max3A_689 [1] : vector<128x128xf32> to vector<128xf32>
    %broadcast_in_dim3A_691 = vector.shape_cast %reduce_max3A_690 : vector<128xf32> to vector<128x1xf32>
    %eq3A_692 = vector.broadcast %broadcast_in_dim3A_691 : vector<128x1xf32> to vector<128x128xf32>
    %eq3A_693 = arith.cmpf oeq, %slice3A_688, %eq3A_692 : vector<128x128xf32>
    %convert_element_type3A_694 = arith.extui %eq3A_693 : vector<128x128xi1> to vector<128x128xi32>
    %convert_element_type3A_695 = arith.sitofp %convert_element_type3A_694 : vector<128x128xi32> to vector<128x128xf32>
    %swap3A_696 = arith.constant 0 : index
    %swap3A_697 = arith.constant 7552 : index
    %swap3A_698 = vector.load %arg13[%swap3A_696, %swap3A_697] : memref<128x8192xf32, #tpu.memory_space<vmem>>, vector<128x128xf32>
    tpu.vector_store %arg13[%swap3A_696, %swap3A_697], %convert_element_type3A_695 {strides = array<i32>} : memref<128x8192xf32, #tpu.memory_space<vmem>>, vector<128x128xf32>,
    %slice3A_699 = vector.extract_strided_slice %add3A_44 {offsets = [0, 7680], sizes = [128, 128], strides = [1, 1]} : vector<128x8192xf32> to vector<128x128xf32>
    %reduce_max3A_700 = arith.constant dense<0xFF800000> : vector<128xf32>
    %reduce_max3A_701 = vector.multi_reduction <maximumf>, %slice3A_699, %reduce_max3A_700 [1] : vector<128x128xf32> to vector<128xf32>
    %broadcast_in_dim3A_702 = vector.shape_cast %reduce_max3A_701 : vector<128xf32> to vector<128x1xf32>
    %eq3A_703 = vector.broadcast %broadcast_in_dim3A_702 : vector<128x1xf32> to vector<128x128xf32>
    %eq3A_704 = arith.cmpf oeq, %slice3A_699, %eq3A_703 : vector<128x128xf32>
    %convert_element_type3A_705 = arith.extui %eq3A_704 : vector<128x128xi1> to vector<128x128xi32>
    %convert_element_type3A_706 = arith.sitofp %convert_element_type3A_705 : vector<128x128xi32> to vector<128x128xf32>
    %swap3A_707 = arith.constant 0 : index
    %swap3A_708 = arith.constant 7680 : index
    %swap3A_709 = vector.load %arg13[%swap3A_707, %swap3A_708] : memref<128x8192xf32, #tpu.memory_space<vmem>>, vector<128x128xf32>
    tpu.vector_store %arg13[%swap3A_707, %swap3A_708], %convert_element_type3A_706 {strides = array<i32>} : memref<128x8192xf32, #tpu.memory_space<vmem>>, vector<128x128xf32>,
    %slice3A_710 = vector.extract_strided_slice %add3A_44 {offsets = [0, 7808], sizes = [128, 128], strides = [1, 1]} : vector<128x8192xf32> to vector<128x128xf32>
    %reduce_max3A_711 = arith.constant dense<0xFF800000> : vector<128xf32>
    %reduce_max3A_712 = vector.multi_reduction <maximumf>, %slice3A_710, %reduce_max3A_711 [1] : vector<128x128xf32> to vector<128xf32>
    %broadcast_in_dim3A_713 = vector.shape_cast %reduce_max3A_712 : vector<128xf32> to vector<128x1xf32>
    %eq3A_714 = vector.broadcast %broadcast_in_dim3A_713 : vector<128x1xf32> to vector<128x128xf32>
    %eq3A_715 = arith.cmpf oeq, %slice3A_710, %eq3A_714 : vector<128x128xf32>
    %convert_element_type3A_716 = arith.extui %eq3A_715 : vector<128x128xi1> to vector<128x128xi32>
    %convert_element_type3A_717 = arith.sitofp %convert_element_type3A_716 : vector<128x128xi32> to vector<128x128xf32>
    %swap3A_718 = arith.constant 0 : index
    %swap3A_719 = arith.constant 7808 : index
    %swap3A_720 = vector.load %arg13[%swap3A_718, %swap3A_719] : memref<128x8192xf32, #tpu.memory_space<vmem>>, vector<128x128xf32>
    tpu.vector_store %arg13[%swap3A_718, %swap3A_719], %convert_element_type3A_717 {strides = array<i32>} : memref<128x8192xf32, #tpu.memory_space<vmem>>, vector<128x128xf32>,
    %slice3A_721 = vector.extract_strided_slice %add3A_44 {offsets = [0, 7936], sizes = [128, 128], strides = [1, 1]} : vector<128x8192xf32> to vector<128x128xf32>
    %reduce_max3A_722 = arith.constant dense<0xFF800000> : vector<128xf32>
    %reduce_max3A_723 = vector.multi_reduction <maximumf>, %slice3A_721, %reduce_max3A_722 [1] : vector<128x128xf32> to vector<128xf32>
    %broadcast_in_dim3A_724 = vector.shape_cast %reduce_max3A_723 : vector<128xf32> to vector<128x1xf32>
    %eq3A_725 = vector.broadcast %broadcast_in_dim3A_724 : vector<128x1xf32> to vector<128x128xf32>
    %eq3A_726 = arith.cmpf oeq, %slice3A_721, %eq3A_725 : vector<128x128xf32>
    %convert_element_type3A_727 = arith.extui %eq3A_726 : vector<128x128xi1> to vector<128x128xi32>
    %convert_element_type3A_728 = arith.sitofp %convert_element_type3A_727 : vector<128x128xi32> to vector<128x128xf32>
    %swap3A_729 = arith.constant 0 : index
    %swap3A_730 = arith.constant 7936 : index
    %swap3A_731 = vector.load %arg13[%swap3A_729, %swap3A_730] : memref<128x8192xf32, #tpu.memory_space<vmem>>, vector<128x128xf32>
    tpu.vector_store %arg13[%swap3A_729, %swap3A_730], %convert_element_type3A_728 {strides = array<i32>} : memref<128x8192xf32, #tpu.memory_space<vmem>>, vector<128x128xf32>,
    %slice3A_732 = vector.extract_strided_slice %add3A_44 {offsets = [0, 8064], sizes = [128, 128], strides = [1, 1]} : vector<128x8192xf32> to vector<128x128xf32>
    %reduce_max3A_733 = arith.constant dense<0xFF800000> : vector<128xf32>
    %reduce_max3A_734 = vector.multi_reduction <maximumf>, %slice3A_732, %reduce_max3A_733 [1] : vector<128x128xf32> to vector<128xf32>
    %broadcast_in_dim3A_735 = vector.shape_cast %reduce_max3A_734 : vector<128xf32> to vector<128x1xf32>
    %eq3A_736 = vector.broadcast %broadcast_in_dim3A_735 : vector<128x1xf32> to vector<128x128xf32>
    %eq3A_737 = arith.cmpf oeq, %slice3A_732, %eq3A_736 : vector<128x128xf32>
    %convert_element_type3A_738 = arith.extui %eq3A_737 : vector<128x128xi1> to vector<128x128xi32>
    %convert_element_type3A_739 = arith.sitofp %convert_element_type3A_738 : vector<128x128xi32> to vector<128x128xf32>
    %swap3A_740 = arith.constant 0 : index
    %swap3A_741 = arith.constant 8064 : index
    %swap3A_742 = vector.load %arg13[%swap3A_740, %swap3A_741] : memref<128x8192xf32, #tpu.memory_space<vmem>>, vector<128x128xf32>
    tpu.vector_store %arg13[%swap3A_740, %swap3A_741], %convert_element_type3A_739 {strides = array<i32>} : memref<128x8192xf32, #tpu.memory_space<vmem>>, vector<128x128xf32>,
    %get3A_743 = arith.constant 0 : index
    %get3A_744 = arith.constant 0 : index
    %get3A_745 = vector.load %arg13[%get3A_743, %get3A_744] : memref<128x8192xf32, #tpu.memory_space<vmem>>, vector<128x8192xf32>
    %convert_element_type3A_746 = arith.truncf %get3A_745 : vector<128x8192xf32> to vector<128x8192xbf16>
    %get3A_747 = arith.constant 0 : index
    %get3A_748 = arith.constant 0 : index
    %get3A_749 = vector.load %arg5[%get3A_747, %get3A_748] : memref<8192x256xf32, #tpu.memory_space<vmem>>, vector<8192x256xf32>
    %convert_element_type3A_750 = arith.truncf %get3A_749 : vector<8192x256xf32> to vector<8192x256xbf16>
    %dot_general3A_751 = arith.constant dense<0.000000e+00> : vector<128x256xf32>
    %dot_general3A_752 = tpu.matmul %convert_element_type3A_746, %convert_element_type3A_750, %dot_general3A_751 {dimension_numbers = #tpu.dot_dimension_numbers<[1], [0], [0], [1], [0, 0, 1, 1], [], []>, transpose_lhs_hint = false} : vector<128x8192xbf16>, vector<8192x256xbf16>, vector<128x256xf32> -> vector<128x256xf32>
    %get3A_753 = arith.constant 0 : index
    %get3A_754 = arith.constant 0 : index
    %get3A_755 = vector.load %arg6[%get3A_753, %get3A_754] : memref<1x256xf32, #tpu.memory_space<vmem>>, vector<1x256xf32>
    %add3A_756 = vector.broadcast %get3A_755 : vector<1x256xf32> to vector<128x256xf32>
    %add3A_757 = arith.addf %dot_general3A_752, %add3A_756 : vector<128x256xf32>
    %get3A_758 = arith.constant 0 : index
    %get3A_759 = arith.constant 0 : index
    %get3A_760 = vector.load %arg10[%get3A_758, %get3A_759] : memref<1x256xf32, #tpu.memory_space<vmem>>, vector<1x256xf32>
    %mul3A_761 = vector.broadcast %get3A_760 : vector<1x256xf32> to vector<128x256xf32>
    %mul3A_762 = arith.mulf %add3A_757, %mul3A_761 : vector<128x256xf32>
    %get3A_763 = arith.constant 0 : index
    %get3A_764 = arith.constant 0 : index
    %get3A_765 = vector.load %arg9[%get3A_763, %get3A_764] : memref<1x256xf32, #tpu.memory_space<vmem>>, vector<1x256xf32>
    %add3A_766 = vector.broadcast %get3A_765 : vector<1x256xf32> to vector<128x256xf32>
    %add3A_767 = arith.addf %mul3A_762, %add3A_766 : vector<128x256xf32>
    %swap3A_768 = arith.constant 0 : index
    %swap3A_769 = arith.constant 0 : index
    %swap3A_770 = vector.load %arg12[%swap3A_768, %swap3A_769] : memref<128x256xf32, #tpu.memory_space<vmem>>, vector<128x256xf32>
    tpu.vector_store %arg12[%swap3A_768, %swap3A_769], %add3A_767 {strides = array<i32>} : memref<128x256xf32, #tpu.memory_space<vmem>>, vector<128x256xf32>,
    return
  }
  func.func @transform_0(%arg0: i32) -> (i32, i32) {
    %c0_i32 = arith.constant 0 : i32
    %c0_i32_0 = arith.constant 0 : i32
    return %arg0, %c0_i32 : i32, i32
  }
  func.func @transform_1(%arg0: i32) -> (i32, i32) {
    %c0_i32 = arith.constant 0 : i32
    %c0_i32_0 = arith.constant 0 : i32
    %c0_i32_1 = arith.constant 0 : i32
    return %c0_i32, %c0_i32_0 : i32, i32
  }
  func.func @transform_2(%arg0: i32) -> (i32, i32) {
    %c0_i32 = arith.constant 0 : i32
    %c0_i32_0 = arith.constant 0 : i32
    %c0_i32_1 = arith.constant 0 : i32
    return %c0_i32, %c0_i32_0 : i32, i32
  }
  func.func @transform_3(%arg0: i32) -> (i32, i32) {
    %c0_i32 = arith.constant 0 : i32
    %c0_i32_0 = arith.constant 0 : i32
    %c0_i32_1 = arith.constant 0 : i32
    return %c0_i32, %c0_i32_0 : i32, i32
  }
  func.func @transform_4(%arg0: i32) -> (i32, i32) {
    %c0_i32 = arith.constant 0 : i32
    %c0_i32_0 = arith.constant 0 : i32
    %c0_i32_1 = arith.constant 0 : i32
    return %c0_i32, %c0_i32_0 : i32, i32
  }
  func.func @transform_5(%arg0: i32) -> (i32, i32) {
    %c0_i32 = arith.constant 0 : i32
    %c0_i32_0 = arith.constant 0 : i32
    %c0_i32_1 = arith.constant 0 : i32
    return %c0_i32, %c0_i32_0 : i32, i32
  }
  func.func @transform_6(%arg0: i32) -> (i32, i32) {
    %c0_i32 = arith.constant 0 : i32
    %c0_i32_0 = arith.constant 0 : i32
    %c0_i32_1 = arith.constant 0 : i32
    return %c0_i32, %c0_i32_0 : i32, i32
  }
  func.func @transform_7(%arg0: i32) -> (i32, i32) {
    %c0_i32 = arith.constant 0 : i32
    %c0_i32_0 = arith.constant 0 : i32
    %c0_i32_1 = arith.constant 0 : i32
    return %c0_i32, %c0_i32_0 : i32, i32
  }
  func.func @transform_8(%arg0: i32) -> (i32, i32) {
    %c0_i32 = arith.constant 0 : i32
    %c0_i32_0 = arith.constant 0 : i32
    %c0_i32_1 = arith.constant 0 : i32
    return %c0_i32, %c0_i32_0 : i32, i32
  }
  func.func @transform_9(%arg0: i32) -> (i32, i32) {
    %c0_i32 = arith.constant 0 : i32
    %c0_i32_0 = arith.constant 0 : i32
    %c0_i32_1 = arith.constant 0 : i32
    return %c0_i32, %c0_i32_0 : i32, i32
  }
  func.func @transform_10(%arg0: i32) -> (i32, i32) {
    %c0_i32 = arith.constant 0 : i32
    %c0_i32_0 = arith.constant 0 : i32
    return %arg0, %c0_i32 : i32, i32
  }
  func.func @transform_11(%arg0: i32) -> (i32, i32) {
    %c0_i32 = arith.constant 0 : i32
    %c0_i32_0 = arith.constant 0 : i32
    return %arg0, %c0_i32 : i32, i32
  }
  func.func @transform_12(%arg0: i32) -> (i32, i32) {
    %c0_i32 = arith.constant 0 : i32
    %c0_i32_0 = arith.constant 0 : i32
    return %arg0, %c0_i32 : i32, i32
  }
}

</mosaic_0001>

<sc_bundles>
// kernel: sparse-core-data-format-call.cloned.1.call-start
scs
called_computation_lowered:
.L_overlay_start_0:
0x0: {  	s2 =	sld [smem:$0x3FD9]  }
0x1: {  	s3 =	sld [smem:$0x3FFE];
	_ =	sdelay $0x1  }
0x2: {  	s1 =	srdreg.scid  }
0x3: {  	s0 =	sand.u32 $0x1, s1  }
0x4: {  	s18 =	sshll.u32 s0, $0xA;
	s2 =	sadd.s32 s3, s2  }
0x5: {  	s2 =	sadd.s32 s2, s18  }
0x6: {  	[smem:$0x3FBD] =	sst s2  }
0x7: {  	_ = 	snop  }
0x8: {  	s2 =	sld [smem:$0x3FBF];
	(tm) =	ssettm $0x1  }
0x9: {  	s19 =	sld [smem:$0x3FFB];
	_ =	sdelay $0x3  }
0xa: {  	_ =	strace s19  }
0xb: {  	s3 =	sld [smem:$0x3FFC];
	_ =	sdelay $0x3  }
0xc: {  	_ =	strace s3  }
0xd: {  	s3 =	sld [smem:$0x3FFD];
	_ =	sdelay $0x3  }
0xe: {  	_ =	strace s3  }
0xf: {  	_ =	strace $0x8FFFFFFF  }
0x10: {  	s20 =	sld [smem:$0x3FDB];
	_ =	sdelay $0x1  }
0x11: {  	s4 =	simm.s32 $_scs_section_size  }
0x12: {  	s5 =	simm.s32 $_size__tile_overlayer_lowered;
	s6 =	simm.s32 $_tile_overlayer_lowered  }
0x13: {  	s23 =	simm.s32 $0x1BFF;
	s22 =	sshll.u32 s6, $0x1;
	s3 =	sadd.s32 s4, s20  }
0x14: {  	s7 =	simm.s32 $0x0;
	s21 =	sshll.u32 s5, $0x1;
	s5 =	sadd.s32 s22, s3  }
0x15: {  	[timem:s7], [sflag:s23] =	dma.local [hbm:s5], s21  }
0x16: {  	_ =	swait.ge [sflag:s23], s21  }
0x17: {  	s4 =	ssub.s32 $0x0, s21;
	[sflag:s23] =	ssyncset.done $0x0  }
0x18: {  	[sflag:s23] =	ssyncadd.s32 s4;
	_ =	sdelay $0x1  }
0x19: {  	s24 =	simm.s32 $0x1B8B  }
0x1a: {  	_ =	swait.ge [sflag:s24], $0x1  }
0x1b: {  	[sflag:s24] =	ssyncset.done $0x0  }
0x1c: {  	s26 =	simm.s32 $0x1B8E;
	s25 =	sld [smem:$0x3FFE];
	[sflag:s24] =	ssyncadd.s32 $0xFFFFFFFF  }
0x1d: {  	s27 =	simm.s32 $execute0_lowered;
	[smem:$0x3FD2] =	sst s26  }
0x1e: {  	s5 =	sshll.u32 s27, $0x1;
	_ =	strace $0x80000046;
	[dreg:$0x1] =	wrdreg $0xFFFFFFFF  }
0x1f: {  	s28 =	simm.s32 $_size_execute0_lowered;
	s3 =	sadd.s32 s3, s5;
	[dreg:$0x0] =	wrdreg $0x0  }
0x20: {  	s5 =	sshll.u32 s28, $0x1;
	[dreg:$0x2] =	wrdreg s3  }
0x21: {  	[dreg:$0x3] =	wrdreg s5  }
0x22: {  	[dreg:$0x4] =	wrdreg $0xC0  }
0x23: {  	_ =	task [dreg:s7], $0x5FFFF  }
0x24: {  	[dreg:$0x1] =	wrdreg $0xFFFFFFFF  }
0x25: {  	[dreg:$0x0] =	wrdreg $0x60  }
0x26: {  	[dreg:$0x2] =	wrdreg s2  }
0x27: {  	[dreg:$0x3] =	wrdreg s25  }
0x28: {  	[dreg:$0x4] =	wrdreg $0x9  }
0x29: {  	_ =	task.clear_ibuf [dreg:s7], $0x5FFFF;
	_ =	strace $0x90000046  }
0x2a: {  	s29 =	simm.s32 $0x9;
	_ =	strace $0x80000048  }
0x2b: {  	_ =	swait.ge [sflag:s29], $0x1  }
0x2c: {  	[sflag:s29] =	ssyncadd.s32 $0xFFFFFFFF  }
0x2d: {  	_ =	strace $0x90000048  }
0x2e: {  	_ =	sfence  }
0x2f: {  	s30 =	sld [smem:$0x0];
	_ =	sdelay $0x2  }
0x30: {  	s31 =	sshll.u32 s1, $0xD;
	s1 =	sshrl.u32 s1, $0x2  }
0x31: {  	s3 =	sand.u32 $0x4000, s31;
	s1 =	sadd.s32 s1, s30  }
0x32: {  	s0 =	sor.u32 s3, s0;
	s1 =	sshll.u32 s1, $0x11  }
0x33: {  	s0 =	sor.u32 s1, s0  }
0x34: {  	s0 =	sadd.s32 $0x8F2B, s0  }
0x35: {  	[sflag:s0] =	ssyncadd.remote.s32 $0x1  }
0x36: {  	_ =	sfence.sel $0xFFFF  }
0x37: {  	[dreg:$0x0] =	wrdreg $0xFFFFFFFF;
	(pc) =	sbr.abs _section_cstart, $3  }
0x38: {  	[dreg:$0x1] =	wrdreg $0xFFFFFFFF  }
0x39: {  	_ =	task.clear_ibuf [dreg:s7], $0x2FFFF;
	_ =	strace $0x9FFFFFFF  }
0x3a: {  	(tm) =	ssettm $0x7FFFFFFF  }
0x3b: {  	_ =	shalt  }
tec
execute0_lowered:
.L_overlay_start_1:
0x0: {  	(tag) =	ssettag $0x1  }
0x1: {  	s2 =	rddreg [dreg:$0x0]  }
0x2: {  	s1 =	rddreg [dreg:$0x1]  }
0x3: {  	s0 =	rddreg [dreg:$0x2]  }
0x4: {  	_ =	strace $0x80000047;
	s4 =	srdreg.scid;
	s6 =	simm.s32 $0x2  }
0x5: {  	s11 =	simm.s32 $0x0;
	p0 =	por $0x0, $0x0;
	s7 =	simm.s32 $0x400  }
.Ltmp0:
0x6: {  	s12 =	simm.s32 $0x0;
	s9 =	simm.s32 $0x0;
	(pc) =	sbr.rel .LBB1_1-.Ltmp0, $4  }
0x7: {  	s8 =	simm.s32 $0x0;
	s3 =	sadd.s32 $0x1600, s1;
	s5 =	sshll.u32 s4, $0x4  }
0x8: {  	s1 =	stileid.u32;
	s4 =	simm.s32 $0x1;
	s5 =	sand.u32 $0x10, s5  }
0x9: {  	s19 =	simm.s32 $0x0;
	[sflag:s4] =	ssyncpa.u1 $0x0;
	s5 =	sor.u32 s1, s5  }
0xa: {  	[sflag:s6] =	ssyncpa.u1 $0x0;
	s6 =	simm.s32 $0x100;
	s10 =	smov.u32 s5  }
.LBB1_7:
0xb: {  	s13 =	sadd.s32 $0x2, s9  }
0xc: {  	s11 =	sadd.s32 $0x20, s10;
	s15 =	smov.u32 s10;
	p2 =	sgt.s32 s13, $0x7  }
0xd: {  	p1 =	slt.u32 s8, $0x2;
	s15 =	smov.u32 @p2 s11  }
0xe: {  	s8 =	sadd.s32 $0x1, s8;
	s13 =	simm.s32 @p2 $0x0;
	p2 =	sgt.s32 s15, $0x1FF  }
0xf: {  	s15 =	smov.u32 @p2 s5;
	p2 =	sne.s32 s8, $0x42  }
.Ltmp1:
0x10: {  	_ = 	snop;
	(pc) =	sbr.rel @!p2 .LBB1_8-.Ltmp1, $4  }
0x11: {  	s14 =	simm.s32 @!p1 $0x2  }
0x12: {  	s12 =	smov.u32 s10;
	_ =	swait.ge @!p1 [sflag:s14], $0x4000  }
0x13: {  	p0 =	por !p0, !p0;
	s11 =	smov.u32 s9;
	[sflag:s14] =	ssyncset.done @!p1 $0x0  }
0x14: {  	s9 =	smov.u32 s13;
	[sflag:s14] =	ssyncadd.s32 @!p1 $0xFFFFC000;
	s10 =	smov.u32 s15  }
.LBB1_1:
0x15: {  	p1 =	sgt.u32 s8, $0x3F  }
0x16: {  	s13 =	sxor.u32 @!p1 $0xFFFFFFFF, s8;
	s14 =	sshll.u32 @!p1 s10, $0xD  }
0x17: {  	s15 =	sshll.u32 @!p1 s9, $0xA;
	s13 =	sshll.u32 @!p1 s13, $0xE;
	s14 =	sadd.s32 @!p1 s2, s14  }
0x18: {  	s13 =	sand.u32 @!p1 $0x4000, s13;
	s14 =	sadd.s32 @!p1 s15, s14;
	s15 =	simm.s32 @!p1 $0x0  }
0x19: {  	[tilespmem:s13], [sflag:$0x1] =	stream.linear.gather @!p1 [hbm4b:s14+s15], $0x4000, $0x38;
	[tilespmem:$0x10000] =	vst v63  }
0x1a: {  	p1 =	seq.s32 s8, $0x0  }
0x1b: {  	p2 =	seq.s32 @!p1 s8, $0x41  }
0x1c: {  	p1 =	por p1, p2  }
.Ltmp2:
0x1d: {  	_ = 	snop;
	(pc) =	sbr.rel @p1 .LBB1_7-.Ltmp2, $1  }
0x1e: {  	_ =	sdelay $0x3  }
0x1f: {  	s13 =	simm.s32 $0x1;
	_ =	swait.ge [sflag:s4], $0x4000  }
0x20: {  	s14 =	sshll.u32 s8, $0xE;
	s16 =	simm.s32 $0x0;
	s13 =	simm.s32 @!p0 $0x0  }
0x21: {  	p2 =	por $0x1, $0x1;
	[sflag:s4] =	ssyncset.done $0x0;
	s13 =	sshll.u32 s13, $0x10  }
0x22: {  	s14 =	sand.u32 $0x4000, s14;
	[sflag:s4] =	ssyncadd.s32 $0xFFFFC000;
	s15 =	sshrl.u32 s13, $0x2  }
0x23: {  	s13 =	sor.u32 $0x8000, s14;
	s14 =	sadd.s32 $0x8040, s15;
	s15 =	sadd.s32 $0x40, s15  }
.LBB1_3:
0x24: {  	s17 =	sshll.u32 s16, $0xD  }
0x25: {  	s17 =	sand.u32 $0x3FFFE000, s17  }
0x26: {  	s17 =	sadd.s32 s17, s15  }
0x27: {  	v0 =	vmov s17;
	_ =	sdelay $0x4  }
0x28: {  	v6 =	vld.idx.msk [tilespmem:v0+s19+$0x30 ss:$0x1], $0xffff  }
0x29: {  	v7 =	vld.idx.msk [tilespmem:v0+s19+$0xFFFFFFC0 ss:$0x1], $0xffff  }
0x2a: {  	v1 =	vld.idx.msk [tilespmem:v0+s19+$0xFFFFFFD0 ss:$0x1], $0xffff  }
0x2b: {  	s31 =	sshll.u32 s16, $0x7;
	v2 =	vld.idx.msk [tilespmem:v0+s19+$0xFFFFFFE0 ss:$0x1], $0xffff  }
0x2c: {  	s16 =	sand.u32 $0x3FFFFF80, s31;
	v3 =	vld.idx.msk [tilespmem:v0+s19+$0xFFFFFFF0 ss:$0x1], $0xffff  }
0x2d: {  	s16 =	sadd.s32 s16, s14;
	v4 =	vld.idx.msk [tilespmem:v0+s19+$0x0 ss:$0x1], $0xffff  }
0x2e: {  	v5 =	vld.idx.msk [tilespmem:v0+s19+$0x10 ss:$0x1], $0xffff;
	[tilespmem:s16+$0x30] =	vst v6  }
0x2f: {  	p1 =	por p2, p2;
	s18 =	simm.s32 $0x400;
	s17 =	simm.s32 $0x80;
	[tilespmem:s16+$0xFFFFFFC0] =	vst v7;
	v6 =	vld.idx.msk [tilespmem:v0+s19+$0x20 ss:$0x1], $0xffff  }
.LBB1_4:
0x30: {  	p2 =	sne.s32 s18, $0x7E00;
	v7 =	vld.idx.msk [tilespmem:v0+s17+$0x30 ss:$0x1], $0xffff;
	[tilespmem:s16+$0xFFFFFFD0] =	vst v1  }
0x31: {  	v8 =	vld.idx.msk [tilespmem:v0+s17+$0xFFFFFFC0 ss:$0x1], $0xffff;
	[tilespmem:s16+$0xFFFFFFE0] =	vst v2  }
0x32: {  	v1 =	vld.idx.msk [tilespmem:v0+s17+$0xFFFFFFD0 ss:$0x1], $0xffff;
	[tilespmem:s16+$0xFFFFFFF0] =	vst v3  }
.Ltmp3:
0x33: {  	v2 =	vld.idx.msk [tilespmem:v0+s17+$0xFFFFFFE0 ss:$0x1], $0xffff;
	[tilespmem:s16+$0x0] =	vst v4;
	(pc) =	sbr.rel @p2 .LBB1_4-.Ltmp3, $4  }
0x34: {  	v3 =	vld.idx.msk [tilespmem:v0+s17+$0xFFFFFFF0 ss:$0x1], $0xffff;
	[tilespmem:s16+$0x10] =	vst v5  }
0x35: {  	v4 =	vld.idx.msk [tilespmem:v0+s17+$0x0 ss:$0x1], $0xffff;
	[tilespmem:s16+$0x20] =	vst v6;
	s16 =	sadd.s32 $0x100, s16  }
0x36: {  	v5 =	vld.idx.msk [tilespmem:v0+s17+$0x10 ss:$0x1], $0xffff;
	[tilespmem:s16+$0x30] =	vst v7  }
0x37: {  	[tilespmem:s16+$0xFFFFFFC0] =	vst v8;
	v6 =	vld.idx.msk [tilespmem:v0+s17+$0x20 ss:$0x1], $0xffff;
	s17 =	sshra.s32 s18, $0x2;
	s18 =	sadd.s32 $0x200, s18  }
0x38: {  	_ =	sdelay $0x2  }
0x39: {  	[tilespmem:s16+$0xFFFFFFD0] =	vst v1  }
0x3a: {  	v56 =	vld.idx.msk [tilespmem:v0+s17+$0x30 ss:$0x1], $0xffff;
	[tilespmem:s16+$0xFFFFFFE0] =	vst v2  }
0x3b: {  	v57 =	vld.idx.msk [tilespmem:v0+s17+$0xFFFFFFC0 ss:$0x1], $0xffff;
	[tilespmem:s16+$0xFFFFFFF0] =	vst v3  }
0x3c: {  	v58 =	vld.idx.msk [tilespmem:v0+s17+$0xFFFFFFD0 ss:$0x1], $0xffff;
	[tilespmem:s16+$0x0] =	vst v4  }
0x3d: {  	v59 =	vld.idx.msk [tilespmem:v0+s17+$0xFFFFFFE0 ss:$0x1], $0xffff;
	[tilespmem:s16+$0x10] =	vst v5  }
0x3e: {  	v60 =	vld.idx.msk [tilespmem:v0+s17+$0xFFFFFFF0 ss:$0x1], $0xffff;
	s31 =	sadd.s32 $0x100, s16;
	[tilespmem:s16+$0x20] =	vst v6  }
0x3f: {  	v61 =	vld.idx.msk [tilespmem:v0+s17+$0x0 ss:$0x1], $0xffff;
	[tilespmem:s31+$0x30] =	vst v56  }
0x40: {  	v62 =	vld.idx.msk [tilespmem:v0+s17+$0x10 ss:$0x1], $0xffff;
	[tilespmem:s31+$0xFFFFFFC0] =	vst v57  }
0x41: {  	v63 =	vld.idx.msk [tilespmem:v0+s17+$0x20 ss:$0x1], $0xffff;
	[tilespmem:s31+$0xFFFFFFD0] =	vst v58  }
.Ltmp4:
0x42: {  	[tilespmem:s31+$0xFFFFFFE0] =	vst v59;
	(pc) =	sbr.rel @p1 .LBB1_3-.Ltmp4, $4  }
0x43: {  	[tilespmem:s31+$0xFFFFFFF0] =	vst v60  }
0x44: {  	[tilespmem:s31+$0x0] =	vst v61  }
0x45: {  	[tilespmem:s31+$0x10] =	vst v62  }
0x46: {  	p2 =	por $0x0, $0x0;
	s16 =	simm.s32 $0x1;
	[tilespmem:s31+$0x20] =	vst v63  }
.Ltmp5:
0x47: {  	(pc) =	sbr.rel .LBB1_7-.Ltmp5, $4  }
0x48: {  	s12 =	sshll.u32 s12, $0xD;
	s11 =	sshll.u32 s11, $0x4  }
0x49: {  	s11 =	sand.u32 $0x70, s11;
	s12 =	sadd.s32 s3, s12  }
0x4a: {  	s11 =	sadd.s32 s11, s12  }
0x4b: {  	[hbm4b:s11+s6] =	stream.strided.scatter [tilespmem:s13], [sflag:$0x2], $0x4000, s7, s6, $0x38;
	[tilespmem:$0x10000] =	vst v63  }
.LBB1_8:
0x4c: {  	_ =	sfence.sel $0x180000  }
0x4d: {  	s2 =	simm.s32 $0x1;
	[bflag:$0x0] =	sbarrier.arrive $0xFFFF  }
0x4e: {  	s31 =	simm.s32 $0x2;
	[sflag:s2] =	ssyncpa.u1 $0x1  }
0x4f: {  	[sflag:s31] =	ssyncpa.u1 $0x1  }
0x50: {  	p0 =	sne.s32 s1, $0x0;
	_ =	strace $0x90000047  }
0x51: {  	s0 =	sadd.s32 @!p0 $0x100000, s0;
	[bflag:$0x2] =	sbarrier.arrive $0xFFFF  }
0x52: {  	[sflag:s0] =	ssyncadd.tile.s32 @!p0 $0x1;
	_ =	shalt  }
.Lfunc_end1:
_tile_overlayer_lowered:
.L_overlay_start_2:
0x53: {  	(tag) =	ssettag $0x2  }
0x54: {  	s0 =	rddreg [dreg:$0x0];
	s2 =	stileid.u32  }
0x55: {  	s1 =	rddreg [dreg:$0x1];
	p0 =	sne.s32 s2, $0x0  }
0x56: {  	s3 =	rddreg [dreg:$0x2];
	[bflag:$0x3] =	sbarrier.arrive $0xFFFF;
	s2 =	simm.s32 @!p0 $0x1C01  }
0x57: {  	[timem:s3], [sflag:s2] =	dma.local @!p0 [hbm:s0], s1  }
0x58: {  	s0 =	simm.s32 @!p0 $0x1  }
0x59: {  	_ =	swait.ge @!p0 [sflag:s0], s1  }
0x5a: {  	s1 =	ssub.s32 @!p0 $0x0, s1;
	[sflag:s0] =	ssyncset.done @!p0 $0x0  }
0x5b: {  	[sflag:s0] =	ssyncadd.s32 @!p0 s1  }
0x5c: {  	[bflag:$0x3] =	sbarrier.arrive $0xFFFF  }
0x5d: {  	_ =	shalt  }

</sc_bundles>
